<compile_context>
chip_gen: v7x
topology: tpu7x:2x2x1
jax: 0.10.2.dev20260603
libtpu: 0.0.44.dev20260713+nightly
codegen_flags: <defaults>
</compile_context>

<pallas_src>
import jax
import jax.numpy as jnp
from jax import lax
from jax.experimental import pallas as pl
from jax.experimental.pallas import tpu as pltpu
from jax.experimental.pallas import tpu_sc as plsc

N = 10000
E = 320000
D = 128
H = 64
C = 16

NC = 2
NS = 16
NW = NC * NS
EPW = E // NW
CK = 128
NFULL = EPW // CK
CKT = EPW - NFULL * CK
TOFF = NFULL * CK
NBUF = 4
NQUAD = NFULL // NBUF
RPT = 624
TAIL = N - NS * RPT

_MESH = plsc.VectorSubcoreMesh(core_axis_name="c", subcore_axis_name="s")
_SC_PARAMS = pltpu.CompilerParams(use_tc_tiling_on_sc=False)


def _seg_sum_kernel(width):

    def body(g_hbm, ei_hbm, zeros_hbm, out_hbm,
             src_v, dst_v, rows_a, rows_b, rows_t, acc_sh,
             sem_a, sem_b, sem_t):
        cid = lax.axis_index("c")
        sid = lax.axis_index("s")
        wid = sid * NC + cid

        pltpu.sync_copy(zeros_hbm.at[pl.ds(sid * RPT, RPT)],
                        acc_sh.at[pl.ds(sid * RPT, RPT)])

        @pl.when(sid == 0)
        def _():
            pltpu.sync_copy(zeros_hbm.at[pl.ds(NS * RPT, TAIL)],
                            acc_sh.at[pl.ds(NS * RPT, TAIL)])

        plsc.subcore_barrier()

        pltpu.sync_copy(ei_hbm.at[0].at[pl.ds(wid * EPW, EPW)], src_v)
        pltpu.sync_copy(ei_hbm.at[1].at[pl.ds(wid * EPW, EPW)], dst_v)

        def gather(c, buf, sem):
            return pltpu.async_copy(g_hbm.at[src_v.at[pl.ds(c * CK, CK)]],
                                    buf, sem)

        npair = NFULL // 2
        gather(0, rows_a, sem_a)
        gather(1, rows_b, sem_b)
        pltpu.async_copy(g_hbm.at[src_v.at[pl.ds(TOFF, CKT)]], rows_t, sem_t)

        def pair(i, carry):
            c0 = 2 * i
            pltpu.make_async_copy(g_hbm.at[src_v.at[pl.ds(c0 * CK, CK)]],
                                  rows_a, sem_a).wait()
            pltpu.sync_copy(rows_a, acc_sh.at[dst_v.at[pl.ds(c0 * CK, CK)]],
                            add=True)

            @pl.when(c0 + 2 < NFULL)
            def _():
                gather(c0 + 2, rows_a, sem_a)

            pltpu.make_async_copy(g_hbm.at[src_v.at[pl.ds((c0 + 1) * CK, CK)]],
                                  rows_b, sem_b).wait()
            pltpu.sync_copy(rows_b, acc_sh.at[dst_v.at[pl.ds((c0 + 1) * CK, CK)]],
                            add=True)

            @pl.when(c0 + 3 < NFULL)
            def _():
                gather(c0 + 3, rows_b, sem_b)

            return carry

        lax.fori_loop(0, npair, pair, 0)
        if NFULL % 2:
            pltpu.make_async_copy(g_hbm.at[src_v.at[pl.ds((NFULL - 1) * CK, CK)]],
                                  rows_a, sem_a).wait()
            pltpu.sync_copy(rows_a,
                            acc_sh.at[dst_v.at[pl.ds((NFULL - 1) * CK, CK)]],
                            add=True)
        pltpu.make_async_copy(g_hbm.at[src_v.at[pl.ds(TOFF, CKT)]],
                              rows_t, sem_t).wait()
        pltpu.sync_copy(rows_t, acc_sh.at[dst_v.at[pl.ds(TOFF, CKT)]],
                        add=True)
        plsc.subcore_barrier()

        pltpu.sync_copy(acc_sh.at[pl.ds(sid * RPT, RPT)],
                        out_hbm.at[pl.ds(sid * RPT, RPT),
                                   pl.ds(cid * width, width)])

        @pl.when(sid == 0)
        def _():
            pltpu.sync_copy(acc_sh.at[pl.ds(NS * RPT, TAIL)],
                            out_hbm.at[pl.ds(NS * RPT, TAIL),
                                       pl.ds(cid * width, width)])

    return pl.kernel(
        body,
        out_type=jax.ShapeDtypeStruct((N, 2 * width), jnp.float32),
        mesh=_MESH,
        scratch_types=[
            pltpu.VMEM((EPW,), jnp.int32),
            pltpu.VMEM((EPW,), jnp.int32),
            pltpu.VMEM((CK, width), jnp.float32),
            pltpu.VMEM((CK, width), jnp.float32),
            pltpu.VMEM((CKT, width), jnp.float32),
            pltpu.VMEM_SHARED((N, width), jnp.float32),
            pltpu.SemaphoreType.DMA,
            pltpu.SemaphoreType.DMA,
            pltpu.SemaphoreType.DMA,
        ],
        compiler_params=_SC_PARAMS,
    )


def _deg_kernel():

    def body(ei_hbm, zeros_hbm, out_hbm, dst_v, ones_v, acc_sh,
             s0, s1, s2, s3):
        ssem = (s0, s1, s2, s3)
        cid = lax.axis_index("c")
        sid = lax.axis_index("s")
        wid = sid * NC + cid

        @pl.when(sid == 0)
        def _():
            pltpu.sync_copy(zeros_hbm, acc_sh.at[pl.ds(0, N)])
        for j in range(CK // 16):
            ones_v[pl.ds(j * 16, 16)] = jnp.full((16,), 1.0, jnp.float32)
        plsc.subcore_barrier()

        pltpu.sync_copy(ei_hbm.at[1].at[pl.ds(wid * EPW, EPW)], dst_v)

        def quad(i, carry):
            base = NBUF * i
            for b in range(NBUF):
                @pl.when(i > 0)
                def _(b=b):
                    pltpu.make_async_copy(
                        ones_v, acc_sh.at[dst_v.at[pl.ds((base - NBUF + b) * CK, CK)]],
                        ssem[b]).wait()
                pltpu.async_copy(ones_v, acc_sh.at[dst_v.at[pl.ds((base + b) * CK, CK)]],
                                 ssem[b], add=True)
            return carry

        lax.fori_loop(0, NQUAD, quad, 0)

        def wait_full(b):
            pltpu.make_async_copy(ones_v, acc_sh.at[dst_v.at[pl.ds(0, CK)]],
                                  ssem[b]).wait()

        outstanding = {b: (CK if NQUAD > 0 else None) for b in range(NBUF)}
        for r in range(NBUF * NQUAD, NFULL):
            b = r % NBUF
            if outstanding[b]:
                wait_full(b)
            pltpu.async_copy(ones_v, acc_sh.at[dst_v.at[pl.ds(r * CK, CK)]],
                             ssem[b], add=True)
            outstanding[b] = CK
        bt = NFULL % NBUF
        if outstanding[bt]:
            wait_full(bt)
        pltpu.async_copy(ones_v.at[pl.ds(0, CKT)],
                         acc_sh.at[dst_v.at[pl.ds(TOFF, CKT)]],
                         ssem[bt], add=True)
        outstanding[bt] = CKT
        for b in range(NBUF):
            if outstanding[b] == CK:
                wait_full(b)
            elif outstanding[b] == CKT:
                pltpu.make_async_copy(ones_v.at[pl.ds(0, CKT)],
                                      acc_sh.at[dst_v.at[pl.ds(TOFF, CKT)]],
                                      ssem[b]).wait()
        plsc.subcore_barrier()

        @pl.when(sid == 0)
        def _():
            pltpu.sync_copy(acc_sh.at[pl.ds(0, N)], out_hbm.at[cid])

    return pl.kernel(
        body,
        out_type=jax.ShapeDtypeStruct((NC, N), jnp.float32),
        mesh=_MESH,
        scratch_types=[
            pltpu.VMEM((EPW,), jnp.int32),
            pltpu.VMEM((CK,), jnp.float32),
            pltpu.VMEM_SHARED((N,), jnp.float32),
        ] + [pltpu.SemaphoreType.DMA] * NBUF,
        compiler_params=_SC_PARAMS,
    )


BN = 2000


def _tc_stage1(x, W1, d0, d1):

    def body(x_ref, w_ref, d0_ref, d1_ref, g1_ref, p1_ref):
        deg = 1.0 + d0_ref[...] + d1_ref[...]
        isr = lax.rsqrt(deg)
        idg = 1.0 / deg
        h = jnp.dot(x_ref[...], w_ref[...], preferred_element_type=jnp.float32)
        g1_ref[...] = h * isr
        p1_ref[:, :H] = h * idg
        p1_ref[:, H:H + 1] = isr
        p1_ref[:, H + 1:H + 2] = idg

    return pl.pallas_call(
        body,
        grid=(N // BN,),
        in_specs=[
            pl.BlockSpec((BN, D), lambda i: (i, 0)),
            pl.BlockSpec((D, H), lambda i: (0, 0)),
            pl.BlockSpec((BN, 1), lambda i: (i, 0)),
            pl.BlockSpec((BN, 1), lambda i: (i, 0)),
        ],
        out_specs=[
            pl.BlockSpec((BN, H), lambda i: (i, 0)),
            pl.BlockSpec((BN, 128), lambda i: (i, 0)),
        ],
        out_shape=[
            jax.ShapeDtypeStruct((N, H), jnp.float32),
            jax.ShapeDtypeStruct((N, 128), jnp.float32),
        ],
    )(x, W1, d0, d1)


def _tc_stage2(agg, p1, b1, W2):

    def body(agg_ref, p1_ref, b1_ref, w_ref, g2_ref, p2_ref):
        a = agg_ref[:, :H] + agg_ref[:, H:]
        isr = p1_ref[:, H:H + 1]
        idg = p1_ref[:, H + 1:H + 2]
        r = jnp.maximum(isr * a + p1_ref[:, :H] + b1_ref[...], 0.0)
        h2 = jnp.dot(r, w_ref[...], preferred_element_type=jnp.float32)
        g2_ref[...] = h2 * isr
        p2_ref[:, :C] = h2 * idg
        p2_ref[:, C:C + 1] = isr

    return pl.pallas_call(
        body,
        grid=(N // BN,),
        in_specs=[
            pl.BlockSpec((BN, 2 * H), lambda i: (i, 0)),
            pl.BlockSpec((BN, 128), lambda i: (i, 0)),
            pl.BlockSpec((1, H), lambda i: (0, 0)),
            pl.BlockSpec((H, C), lambda i: (0, 0)),
        ],
        out_specs=[
            pl.BlockSpec((BN, C), lambda i: (i, 0)),
            pl.BlockSpec((BN, 128), lambda i: (i, 0)),
        ],
        out_shape=[
            jax.ShapeDtypeStruct((N, C), jnp.float32),
            jax.ShapeDtypeStruct((N, 128), jnp.float32),
        ],
    )(agg, p1, b1, W2)


def _tc_stage3(agg, p2, b2):
    def body(agg_ref, p2_ref, b2_ref, out_ref):
        a = agg_ref[:, :C] + agg_ref[:, C:]
        isr = p2_ref[:, C:C + 1]
        out_ref[...] = isr * a + p2_ref[:, :C] + b2_ref[...]

    return pl.pallas_call(
        body,
        grid=(N // BN,),
        in_specs=[
            pl.BlockSpec((BN, 2 * C), lambda i: (i, 0)),
            pl.BlockSpec((BN, 128), lambda i: (i, 0)),
            pl.BlockSpec((1, C), lambda i: (0, 0)),
        ],
        out_specs=pl.BlockSpec((BN, C), lambda i: (i, 0)),
        out_shape=jax.ShapeDtypeStruct((N, C), jnp.float32),
    )(agg, p2, b2)


def kernel(x, edge_index, W1, b1, W2, b2):
    zeros_n = jnp.zeros((N,), jnp.float32)
    zeros_h = jnp.zeros((N, H), jnp.float32)
    zeros_c = jnp.zeros((N, C), jnp.float32)

    ei = edge_index.astype(jnp.int32)
    degp = _deg_kernel()(ei, zeros_n)
    d0 = degp[0].reshape(N, 1)
    d1 = degp[1].reshape(N, 1)

    g1, p1 = _tc_stage1(x, W1, d0, d1)

    agg1 = _seg_sum_kernel(H)(g1, ei, zeros_h)
    g2, p2 = _tc_stage2(agg1, p1, b1.reshape(1, H), W2)

    agg2 = _seg_sum_kernel(C)(g2, ei, zeros_c)
    out = _tc_stage3(agg2, p2, b2.reshape(1, C))
    return out

# --- scband reference (transcript-rebuilt; emitter-appended) ---
"""Pipeline reference for scband-robust-node-classifier-1589137899684 (READ-ONLY COPY).

The authoritative reference and input builder live on the scoring server;
editing this copy changes nothing except your own understanding.
"""

import jax, jax.numpy as jnp
import numpy as np

N = 10000
E = 320000
D = 128
H = 64
C = 16


def setup_inputs(seed: int = 0) -> dict:
    key = jax.random.key(seed)
    k1, k2, k3, k4 = jax.random.split(key, 4)
    x = jax.random.normal(k1, (N, D), dtype=jnp.float32)
    edge_index = jax.random.randint(k2, (2, E), 0, N)
    W1 = jax.random.normal(k3, (D, H), dtype=jnp.float32) * 0.05
    b1 = jnp.zeros((H,), dtype=jnp.float32)
    W2 = jax.random.normal(k4, (H, C), dtype=jnp.float32) * 0.05
    b2 = jnp.zeros((C,), dtype=jnp.float32)
    return {"x": x, "edge_index": edge_index, "W1": W1, "b1": b1, "W2": W2, "b2": b2}


def _gcn_layer(x, src, dst, W, b):
    # GCNConv with symmetric normalization and self-loops
    h = x @ W
    # degree including self-loop
    deg = jnp.ones((N,), dtype=jnp.float32).at[dst].add(1.0)
    inv_sqrt = 1.0 / jnp.sqrt(deg)
    coef = inv_sqrt[src] * inv_sqrt[dst]
    msgs = h[src] * coef[:, None]
    agg = jax.ops.segment_sum(msgs, dst, num_segments=N)
    # self-loop contribution: norm = 1/deg_i
    agg = agg + h * (1.0 / deg)[:, None]
    return agg + b


def reference(x, edge_index, W1, b1, W2, b2):
    src = edge_index[0]
    dst = edge_index[1]
    h = _gcn_layer(x, src, dst, W1, b1)
    h = jax.nn.relu(h)
    out = _gcn_layer(h, src, dst, W2, b2)
    return out

if __name__ == "__main__":
    import jax
    _d = setup_inputs()
    print(jax.jit(kernel)(*tuple(_d.values())))

</pallas_src>

<mosaic_0001>
#map = affine_map<(d0, d1) -> (0, 0)>
module attributes {stable_mosaic.version = 14 : i64} {
  func.func @body(%arg0: i32, %arg1: i32, %arg2: memref<10000x64xf32, #tpu.memory_space<hbm>>, %arg3: memref<2x320000xi32, #tpu.memory_space<hbm>>, %arg4: memref<10000x64xf32, #tpu.memory_space<hbm>>, %arg5: memref<10000x128xf32, #tpu.memory_space<hbm>>, %arg6: memref<10000xi32, #tpu.memory_space<vmem>>, %arg7: memref<10000xi32, #tpu.memory_space<vmem>>, %arg8: memref<128x64xf32, #tpu.memory_space<vmem>>, %arg9: memref<128x64xf32, #tpu.memory_space<vmem>>, %arg10: memref<16x64xf32, #tpu.memory_space<vmem>>, %arg11: memref<10000x64xf32, #tpu.memory_space<vmem_shared>>, %arg12: memref<!tpu.dma_semaphore, #tpu.memory_space<semaphore_mem>>, %arg13: memref<!tpu.dma_semaphore, #tpu.memory_space<semaphore_mem>>, %arg14: memref<!tpu.dma_semaphore, #tpu.memory_space<semaphore_mem>>) attributes {dimension_semantics = [#tpu.dimension_semantics<core_parallel>, #tpu.dimension_semantics<subcore_parallel>], iteration_bounds = array<i64: 2, 16>, scalar_prefetch = 0 : i64, scratch_operands = 9 : i64, tpu.core_type = #tpu.core_type<sc_vector_subcore>, window_params = [{transform_indices = #map}, {transform_indices = #map}, {transform_indices = #map}, {transform_indices = #map}]} {
    %mul3A = arith.constant 2 : i32
    %mul3A_0 = arith.muli %arg1, %mul3A : i32
    %add3A = arith.addi %mul3A_0, %arg0 : i32
    %mul3A_1 = arith.constant 624 : i32
    %mul3A_2 = arith.muli %arg1, %mul3A_1 : i32
    %mul3A_3 = arith.constant 624 : i32
    %mul3A_4 = arith.muli %arg1, %mul3A_3 : i32
    "tpu.region"() ({
      %run_scoped3A_47 = tpu.sem_alloc : memref<!tpu.dma_semaphore, #tpu.memory_space<semaphore_mem>>
      %dma_start3A_48 = arith.constant 0 : i32
      %dma_start3A_49 = tpu.memref_slice %arg11[%mul3A_4, %dma_start3A_48] : memref<10000x64xf32, #tpu.memory_space<vmem_shared>> -> memref<624x64xf32, #tpu.memory_space<vmem_shared>>
      %dma_start3A_50 = arith.constant 0 : i32
      %dma_start3A_51 = tpu.memref_slice %arg4[%mul3A_2, %dma_start3A_50] : memref<10000x64xf32, #tpu.memory_space<hbm>> -> memref<624x64xf32, #tpu.memory_space<hbm>>
      tpu.enqueue_dma source(%dma_start3A_51 : memref<624x64xf32, #tpu.memory_space<hbm>>) target(%dma_start3A_49 : memref<624x64xf32, #tpu.memory_space<vmem_shared>>) target_semaphore(%run_scoped3A_47 : memref<!tpu.dma_semaphore, #tpu.memory_space<semaphore_mem>>)
      %dma_wait3A_52 = arith.constant 0 : i32
      %dma_wait3A_53 = tpu.memref_slice %arg11[%mul3A_4, %dma_wait3A_52] : memref<10000x64xf32, #tpu.memory_space<vmem_shared>> -> memref<624x64xf32, #tpu.memory_space<vmem_shared>>
      %dma_wait3A_54 = arith.constant 0 : i32
      %dma_wait3A_55 = tpu.memref_slice %arg4[%mul3A_2, %dma_wait3A_54] : memref<10000x64xf32, #tpu.memory_space<hbm>> -> memref<624x64xf32, #tpu.memory_space<hbm>>
      tpu.wait_dma2 semaphore(%run_scoped3A_47 : memref<!tpu.dma_semaphore, #tpu.memory_space<semaphore_mem>>) src(%dma_wait3A_55 : memref<624x64xf32, #tpu.memory_space<hbm>>) dst(%dma_wait3A_53 : memref<624x64xf32, #tpu.memory_space<vmem_shared>>)
      tpu.yield
    }) : () -> ()
    %eq3A = arith.constant 0 : i32
    %eq3A_5 = arith.cmpi eq, %arg1, %eq3A : i32
    %convert_element_type3A = arith.extui %eq3A_5 : i1 to i32
    %cond3A = arith.constant 0 : i32
    %cond3A_6 = arith.cmpi ne, %convert_element_type3A, %cond3A : i32
    scf.if %cond3A_6 {
      "tpu.region"() ({
        %run_scoped3A_47 = tpu.sem_alloc : memref<!tpu.dma_semaphore, #tpu.memory_space<semaphore_mem>>
        %dma_start3A_48 = arith.constant 9984 : i32
        %dma_start3A_49 = arith.constant 0 : i32
        %dma_start3A_50 = tpu.memref_slice %arg11[%dma_start3A_48, %dma_start3A_49] : memref<10000x64xf32, #tpu.memory_space<vmem_shared>> -> memref<16x64xf32, #tpu.memory_space<vmem_shared>>
        %dma_start3A_51 = arith.constant 9984 : i32
        %dma_start3A_52 = arith.constant 0 : i32
        %dma_start3A_53 = tpu.memref_slice %arg4[%dma_start3A_51, %dma_start3A_52] : memref<10000x64xf32, #tpu.memory_space<hbm>> -> memref<16x64xf32, #tpu.memory_space<hbm>>
        tpu.enqueue_dma source(%dma_start3A_53 : memref<16x64xf32, #tpu.memory_space<hbm>>) target(%dma_start3A_50 : memref<16x64xf32, #tpu.memory_space<vmem_shared>>) target_semaphore(%run_scoped3A_47 : memref<!tpu.dma_semaphore, #tpu.memory_space<semaphore_mem>>)
        %dma_wait3A_54 = arith.constant 9984 : i32
        %dma_wait3A_55 = arith.constant 0 : i32
        %dma_wait3A_56 = tpu.memref_slice %arg11[%dma_wait3A_54, %dma_wait3A_55] : memref<10000x64xf32, #tpu.memory_space<vmem_shared>> -> memref<16x64xf32, #tpu.memory_space<vmem_shared>>
        %dma_wait3A_57 = arith.constant 9984 : i32
        %dma_wait3A_58 = arith.constant 0 : i32
        %dma_wait3A_59 = tpu.memref_slice %arg4[%dma_wait3A_57, %dma_wait3A_58] : memref<10000x64xf32, #tpu.memory_space<hbm>> -> memref<16x64xf32, #tpu.memory_space<hbm>>
        tpu.wait_dma2 semaphore(%run_scoped3A_47 : memref<!tpu.dma_semaphore, #tpu.memory_space<semaphore_mem>>) src(%dma_wait3A_59 : memref<16x64xf32, #tpu.memory_space<hbm>>) dst(%dma_wait3A_56 : memref<16x64xf32, #tpu.memory_space<vmem_shared>>)
        tpu.yield
      }) : () -> ()
    } else {
    }
    %barrier3A = arith.constant 0 : index
    tpu.barrier barrier_id(%barrier3A)
    %mul3A_7 = arith.constant 10000 : i32
    %mul3A_8 = arith.muli %add3A, %mul3A_7 : i32
    %run_scoped3A = arith.constant 0 : i32
    "tpu.region"() ({
      %run_scoped3A_47 = tpu.sem_alloc : memref<!tpu.dma_semaphore, #tpu.memory_space<semaphore_mem>>
      %dma_start3A_48 = arith.constant 0 : i32
      %dma_start3A_49 = tpu.memref_slice %arg3[%run_scoped3A, %dma_start3A_48] : memref<2x320000xi32, #tpu.memory_space<hbm>> -> memref<1x320000xi32, #tpu.memory_space<hbm>>
      %dma_start3A_50 = tpu.memref_squeeze %dma_start3A_49 : memref<1x320000xi32, #tpu.memory_space<hbm>> -> memref<320000xi32, #tpu.memory_space<hbm>>
      %dma_start3A_51 = tpu.memref_slice %dma_start3A_50[%mul3A_8] : memref<320000xi32, #tpu.memory_space<hbm>> -> memref<10000xi32, #tpu.memory_space<hbm>>
      %dma_start3A_52 = arith.constant 0 : i32
      %dma_start3A_53 = tpu.memref_slice %arg3[%run_scoped3A, %dma_start3A_52] : memref<2x320000xi32, #tpu.memory_space<hbm>> -> memref<1x320000xi32, #tpu.memory_space<hbm>>
      %dma_start3A_54 = tpu.memref_squeeze %dma_start3A_53 : memref<1x320000xi32, #tpu.memory_space<hbm>> -> memref<320000xi32, #tpu.memory_space<hbm>>
      %dma_start3A_55 = tpu.memref_slice %dma_start3A_54[%mul3A_8] : memref<320000xi32, #tpu.memory_space<hbm>> -> memref<10000xi32, #tpu.memory_space<hbm>>
      tpu.enqueue_dma source(%dma_start3A_55 : memref<10000xi32, #tpu.memory_space<hbm>>) target(%arg6 : memref<10000xi32, #tpu.memory_space<vmem>>) target_semaphore(%run_scoped3A_47 : memref<!tpu.dma_semaphore, #tpu.memory_space<semaphore_mem>>)
      %dma_wait3A_56 = arith.constant 0 : i32
      %dma_wait3A_57 = tpu.memref_slice %arg3[%run_scoped3A, %dma_wait3A_56] : memref<2x320000xi32, #tpu.memory_space<hbm>> -> memref<1x320000xi32, #tpu.memory_space<hbm>>
      %dma_wait3A_58 = tpu.memref_squeeze %dma_wait3A_57 : memref<1x320000xi32, #tpu.memory_space<hbm>> -> memref<320000xi32, #tpu.memory_space<hbm>>
      %dma_wait3A_59 = tpu.memref_slice %dma_wait3A_58[%mul3A_8] : memref<320000xi32, #tpu.memory_space<hbm>> -> memref<10000xi32, #tpu.memory_space<hbm>>
      %dma_wait3A_60 = arith.constant 0 : i32
      %dma_wait3A_61 = tpu.memref_slice %arg3[%run_scoped3A, %dma_wait3A_60] : memref<2x320000xi32, #tpu.memory_space<hbm>> -> memref<1x320000xi32, #tpu.memory_space<hbm>>
      %dma_wait3A_62 = tpu.memref_squeeze %dma_wait3A_61 : memref<1x320000xi32, #tpu.memory_space<hbm>> -> memref<320000xi32, #tpu.memory_space<hbm>>
      %dma_wait3A_63 = tpu.memref_slice %dma_wait3A_62[%mul3A_8] : memref<320000xi32, #tpu.memory_space<hbm>> -> memref<10000xi32, #tpu.memory_space<hbm>>
      tpu.wait_dma2 semaphore(%run_scoped3A_47 : memref<!tpu.dma_semaphore, #tpu.memory_space<semaphore_mem>>) src(%dma_wait3A_63 : memref<10000xi32, #tpu.memory_space<hbm>>) dst(%arg6 : memref<10000xi32, #tpu.memory_space<vmem>>)
      tpu.yield
    }) : () -> ()
    %mul3A_9 = arith.constant 10000 : i32
    %mul3A_10 = arith.muli %add3A, %mul3A_9 : i32
    %run_scoped3A_11 = arith.constant 1 : i32
    "tpu.region"() ({
      %run_scoped3A_47 = tpu.sem_alloc : memref<!tpu.dma_semaphore, #tpu.memory_space<semaphore_mem>>
      %dma_start3A_48 = arith.constant 0 : i32
      %dma_start3A_49 = tpu.memref_slice %arg3[%run_scoped3A_11, %dma_start3A_48] : memref<2x320000xi32, #tpu.memory_space<hbm>> -> memref<1x320000xi32, #tpu.memory_space<hbm>>
      %dma_start3A_50 = tpu.memref_squeeze %dma_start3A_49 : memref<1x320000xi32, #tpu.memory_space<hbm>> -> memref<320000xi32, #tpu.memory_space<hbm>>
      %dma_start3A_51 = tpu.memref_slice %dma_start3A_50[%mul3A_10] : memref<320000xi32, #tpu.memory_space<hbm>> -> memref<10000xi32, #tpu.memory_space<hbm>>
      %dma_start3A_52 = arith.constant 0 : i32
      %dma_start3A_53 = tpu.memref_slice %arg3[%run_scoped3A_11, %dma_start3A_52] : memref<2x320000xi32, #tpu.memory_space<hbm>> -> memref<1x320000xi32, #tpu.memory_space<hbm>>
      %dma_start3A_54 = tpu.memref_squeeze %dma_start3A_53 : memref<1x320000xi32, #tpu.memory_space<hbm>> -> memref<320000xi32, #tpu.memory_space<hbm>>
      %dma_start3A_55 = tpu.memref_slice %dma_start3A_54[%mul3A_10] : memref<320000xi32, #tpu.memory_space<hbm>> -> memref<10000xi32, #tpu.memory_space<hbm>>
      tpu.enqueue_dma source(%dma_start3A_55 : memref<10000xi32, #tpu.memory_space<hbm>>) target(%arg7 : memref<10000xi32, #tpu.memory_space<vmem>>) target_semaphore(%run_scoped3A_47 : memref<!tpu.dma_semaphore, #tpu.memory_space<semaphore_mem>>)
      %dma_wait3A_56 = arith.constant 0 : i32
      %dma_wait3A_57 = tpu.memref_slice %arg3[%run_scoped3A_11, %dma_wait3A_56] : memref<2x320000xi32, #tpu.memory_space<hbm>> -> memref<1x320000xi32, #tpu.memory_space<hbm>>
      %dma_wait3A_58 = tpu.memref_squeeze %dma_wait3A_57 : memref<1x320000xi32, #tpu.memory_space<hbm>> -> memref<320000xi32, #tpu.memory_space<hbm>>
      %dma_wait3A_59 = tpu.memref_slice %dma_wait3A_58[%mul3A_10] : memref<320000xi32, #tpu.memory_space<hbm>> -> memref<10000xi32, #tpu.memory_space<hbm>>
      %dma_wait3A_60 = arith.constant 0 : i32
      %dma_wait3A_61 = tpu.memref_slice %arg3[%run_scoped3A_11, %dma_wait3A_60] : memref<2x320000xi32, #tpu.memory_space<hbm>> -> memref<1x320000xi32, #tpu.memory_space<hbm>>
      %dma_wait3A_62 = tpu.memref_squeeze %dma_wait3A_61 : memref<1x320000xi32, #tpu.memory_space<hbm>> -> memref<320000xi32, #tpu.memory_space<hbm>>
      %dma_wait3A_63 = tpu.memref_slice %dma_wait3A_62[%mul3A_10] : memref<320000xi32, #tpu.memory_space<hbm>> -> memref<10000xi32, #tpu.memory_space<hbm>>
      tpu.wait_dma2 semaphore(%run_scoped3A_47 : memref<!tpu.dma_semaphore, #tpu.memory_space<semaphore_mem>>) src(%dma_wait3A_63 : memref<10000xi32, #tpu.memory_space<hbm>>) dst(%arg7 : memref<10000xi32, #tpu.memory_space<vmem>>)
      tpu.yield
    }) : () -> ()
    %dma_start3A = arith.constant 0 : i32
    %dma_start3A_12 = tpu.memref_slice %arg6[%dma_start3A] : memref<10000xi32, #tpu.memory_space<vmem>> -> memref<128xi32, #tpu.memory_space<vmem>>
    %dma_start3A_13 = arith.constant 0 : i32
    %dma_start3A_14 = arith.constant 0 : i32
    %dma_start3A_15 = tpu.memref_slice %arg2[%dma_start3A_13, %dma_start3A_14] : memref<10000x64xf32, #tpu.memory_space<hbm>> -> memref<10000x64xf32, #tpu.memory_space<hbm>>
    tpu.enqueue_indirect_dma source(%dma_start3A_15 : memref<10000x64xf32, #tpu.memory_space<hbm>>) target(%arg8 : memref<128x64xf32, #tpu.memory_space<vmem>>) offsets(%dma_start3A_12 : memref<128xi32, #tpu.memory_space<vmem>>) semaphore(%arg12 : memref<!tpu.dma_semaphore, #tpu.memory_space<semaphore_mem>>)
    %dma_start3A_16 = arith.constant 128 : i32
    %dma_start3A_17 = tpu.memref_slice %arg6[%dma_start3A_16] : memref<10000xi32, #tpu.memory_space<vmem>> -> memref<128xi32, #tpu.memory_space<vmem>>
    %dma_start3A_18 = arith.constant 0 : i32
    %dma_start3A_19 = arith.constant 0 : i32
    %dma_start3A_20 = tpu.memref_slice %arg2[%dma_start3A_18, %dma_start3A_19] : memref<10000x64xf32, #tpu.memory_space<hbm>> -> memref<10000x64xf32, #tpu.memory_space<hbm>>
    tpu.enqueue_indirect_dma source(%dma_start3A_20 : memref<10000x64xf32, #tpu.memory_space<hbm>>) target(%arg9 : memref<128x64xf32, #tpu.memory_space<vmem>>) offsets(%dma_start3A_17 : memref<128xi32, #tpu.memory_space<vmem>>) semaphore(%arg13 : memref<!tpu.dma_semaphore, #tpu.memory_space<semaphore_mem>>)
    %dma_start3A_21 = arith.constant 9984 : i32
    %dma_start3A_22 = tpu.memref_slice %arg6[%dma_start3A_21] : memref<10000xi32, #tpu.memory_space<vmem>> -> memref<16xi32, #tpu.memory_space<vmem>>
    %dma_start3A_23 = arith.constant 0 : i32
    %dma_start3A_24 = arith.constant 0 : i32
    %dma_start3A_25 = tpu.memref_slice %arg2[%dma_start3A_23, %dma_start3A_24] : memref<10000x64xf32, #tpu.memory_space<hbm>> -> memref<10000x64xf32, #tpu.memory_space<hbm>>
    tpu.enqueue_indirect_dma source(%dma_start3A_25 : memref<10000x64xf32, #tpu.memory_space<hbm>>) target(%arg10 : memref<16x64xf32, #tpu.memory_space<vmem>>) offsets(%dma_start3A_22 : memref<16xi32, #tpu.memory_space<vmem>>) semaphore(%arg14 : memref<!tpu.dma_semaphore, #tpu.memory_space<semaphore_mem>>)
    %scan3A = arith.constant 0 : i32
    %scan3A_26 = arith.constant 0 : i32
    %scan3A_27 = arith.constant 39 : i32
    %scan3A_28 = arith.addi %scan3A_26, %scan3A_27 : i32
    %scan3A_29 = arith.constant 1 : i32
    scf.for %scan3A_47 = %scan3A_26 to %scan3A_28 step %scan3A_29  : i32 {
      %mul3A_48 = arith.constant 2 : i32
      %mul3A_49 = arith.muli %mul3A_48, %scan3A_47 : i32
      %mul3A_50 = arith.constant 128 : i32
      %mul3A_51 = arith.muli %mul3A_49, %mul3A_50 : i32
      %dma_wait3A_52 = tpu.memref_slice %arg6[%mul3A_51] : memref<10000xi32, #tpu.memory_space<vmem>> -> memref<128xi32, #tpu.memory_space<vmem>>
      %dma_wait3A_53 = arith.constant 0 : i32
      %dma_wait3A_54 = arith.constant 0 : i32
      %dma_wait3A_55 = tpu.memref_slice %arg2[%dma_wait3A_53, %dma_wait3A_54] : memref<10000x64xf32, #tpu.memory_space<hbm>> -> memref<10000x64xf32, #tpu.memory_space<hbm>>
      tpu.wait_indirect_dma semaphore(%arg12 : memref<!tpu.dma_semaphore, #tpu.memory_space<semaphore_mem>>) src(%dma_wait3A_55 : memref<10000x64xf32, #tpu.memory_space<hbm>>) dst(%arg8 : memref<128x64xf32, #tpu.memory_space<vmem>>)
      %mul3A_56 = arith.constant 128 : i32
      %mul3A_57 = arith.muli %mul3A_49, %mul3A_56 : i32
      "tpu.region"() ({
        %run_scoped3A_83 = tpu.sem_alloc : memref<!tpu.dma_semaphore, #tpu.memory_space<semaphore_mem>>
        %dma_start3A_84 = tpu.memref_slice %arg7[%mul3A_57] : memref<10000xi32, #tpu.memory_space<vmem>> -> memref<128xi32, #tpu.memory_space<vmem>>
        %dma_start3A_85 = arith.constant 0 : i32
        %dma_start3A_86 = arith.constant 0 : i32
        %dma_start3A_87 = tpu.memref_slice %arg11[%dma_start3A_85, %dma_start3A_86] : memref<10000x64xf32, #tpu.memory_space<vmem_shared>> -> memref<10000x64xf32, #tpu.memory_space<vmem_shared>>
        tpu.enqueue_indirect_dma source(%arg8 : memref<128x64xf32, #tpu.memory_space<vmem>>) target(%dma_start3A_87 : memref<10000x64xf32, #tpu.memory_space<vmem_shared>>) offsets(%dma_start3A_84 : memref<128xi32, #tpu.memory_space<vmem>>) semaphore(%run_scoped3A_83 : memref<!tpu.dma_semaphore, #tpu.memory_space<semaphore_mem>>) {add = true}
        %dma_wait3A_88 = tpu.memref_slice %arg7[%mul3A_57] : memref<10000xi32, #tpu.memory_space<vmem>> -> memref<128xi32, #tpu.memory_space<vmem>>
        %dma_wait3A_89 = arith.constant 0 : i32
        %dma_wait3A_90 = arith.constant 0 : i32
        %dma_wait3A_91 = tpu.memref_slice %arg11[%dma_wait3A_89, %dma_wait3A_90] : memref<10000x64xf32, #tpu.memory_space<vmem_shared>> -> memref<10000x64xf32, #tpu.memory_space<vmem_shared>>
        tpu.wait_indirect_dma semaphore(%run_scoped3A_83 : memref<!tpu.dma_semaphore, #tpu.memory_space<semaphore_mem>>) src(%arg8 : memref<128x64xf32, #tpu.memory_space<vmem>>) dst(%dma_wait3A_91 : memref<10000x64xf32, #tpu.memory_space<vmem_shared>>)
        tpu.yield
      }) : () -> ()
      %add3A_58 = arith.constant 2 : i32
      %add3A_59 = arith.addi %mul3A_49, %add3A_58 : i32
      %lt3A = arith.constant 78 : i32
      %lt3A_60 = arith.cmpi slt, %add3A_59, %lt3A : i32
      %convert_element_type3A_61 = arith.extui %lt3A_60 : i1 to i32
      %cond3A_62 = arith.constant 0 : i32
      %cond3A_63 = arith.cmpi ne, %convert_element_type3A_61, %cond3A_62 : i32
      scf.if %cond3A_63 {
        %add3A_83 = arith.constant 2 : i32
        %add3A_84 = arith.addi %mul3A_49, %add3A_83 : i32
        %mul3A_85 = arith.constant 128 : i32
        %mul3A_86 = arith.muli %add3A_84, %mul3A_85 : i32
        %dma_start3A_87 = tpu.memref_slice %arg6[%mul3A_86] : memref<10000xi32, #tpu.memory_space<vmem>> -> memref<128xi32, #tpu.memory_space<vmem>>
        %dma_start3A_88 = arith.constant 0 : i32
        %dma_start3A_89 = arith.constant 0 : i32
        %dma_start3A_90 = tpu.memref_slice %arg2[%dma_start3A_88, %dma_start3A_89] : memref<10000x64xf32, #tpu.memory_space<hbm>> -> memref<10000x64xf32, #tpu.memory_space<hbm>>
        tpu.enqueue_indirect_dma source(%dma_start3A_90 : memref<10000x64xf32, #tpu.memory_space<hbm>>) target(%arg8 : memref<128x64xf32, #tpu.memory_space<vmem>>) offsets(%dma_start3A_87 : memref<128xi32, #tpu.memory_space<vmem>>) semaphore(%arg12 : memref<!tpu.dma_semaphore, #tpu.memory_space<semaphore_mem>>)
      } else {
      }
      %add3A_64 = arith.constant 1 : i32
      %add3A_65 = arith.addi %mul3A_49, %add3A_64 : i32
      %mul3A_66 = arith.constant 128 : i32
      %mul3A_67 = arith.muli %add3A_65, %mul3A_66 : i32
      %dma_wait3A_68 = tpu.memref_slice %arg6[%mul3A_67] : memref<10000xi32, #tpu.memory_space<vmem>> -> memref<128xi32, #tpu.memory_space<vmem>>
      %dma_wait3A_69 = arith.constant 0 : i32
      %dma_wait3A_70 = arith.constant 0 : i32
      %dma_wait3A_71 = tpu.memref_slice %arg2[%dma_wait3A_69, %dma_wait3A_70] : memref<10000x64xf32, #tpu.memory_space<hbm>> -> memref<10000x64xf32, #tpu.memory_space<hbm>>
      tpu.wait_indirect_dma semaphore(%arg13 : memref<!tpu.dma_semaphore, #tpu.memory_space<semaphore_mem>>) src(%dma_wait3A_71 : memref<10000x64xf32, #tpu.memory_space<hbm>>) dst(%arg9 : memref<128x64xf32, #tpu.memory_space<vmem>>)
      %add3A_72 = arith.constant 1 : i32
      %add3A_73 = arith.addi %mul3A_49, %add3A_72 : i32
      %mul3A_74 = arith.constant 128 : i32
      %mul3A_75 = arith.muli %add3A_73, %mul3A_74 : i32
      "tpu.region"() ({
        %run_scoped3A_83 = tpu.sem_alloc : memref<!tpu.dma_semaphore, #tpu.memory_space<semaphore_mem>>
        %dma_start3A_84 = tpu.memref_slice %arg7[%mul3A_75] : memref<10000xi32, #tpu.memory_space<vmem>> -> memref<128xi32, #tpu.memory_space<vmem>>
        %dma_start3A_85 = arith.constant 0 : i32
        %dma_start3A_86 = arith.constant 0 : i32
        %dma_start3A_87 = tpu.memref_slice %arg11[%dma_start3A_85, %dma_start3A_86] : memref<10000x64xf32, #tpu.memory_space<vmem_shared>> -> memref<10000x64xf32, #tpu.memory_space<vmem_shared>>
        tpu.enqueue_indirect_dma source(%arg9 : memref<128x64xf32, #tpu.memory_space<vmem>>) target(%dma_start3A_87 : memref<10000x64xf32, #tpu.memory_space<vmem_shared>>) offsets(%dma_start3A_84 : memref<128xi32, #tpu.memory_space<vmem>>) semaphore(%run_scoped3A_83 : memref<!tpu.dma_semaphore, #tpu.memory_space<semaphore_mem>>) {add = true}
        %dma_wait3A_88 = tpu.memref_slice %arg7[%mul3A_75] : memref<10000xi32, #tpu.memory_space<vmem>> -> memref<128xi32, #tpu.memory_space<vmem>>
        %dma_wait3A_89 = arith.constant 0 : i32
        %dma_wait3A_90 = arith.constant 0 : i32
        %dma_wait3A_91 = tpu.memref_slice %arg11[%dma_wait3A_89, %dma_wait3A_90] : memref<10000x64xf32, #tpu.memory_space<vmem_shared>> -> memref<10000x64xf32, #tpu.memory_space<vmem_shared>>
        tpu.wait_indirect_dma semaphore(%run_scoped3A_83 : memref<!tpu.dma_semaphore, #tpu.memory_space<semaphore_mem>>) src(%arg9 : memref<128x64xf32, #tpu.memory_space<vmem>>) dst(%dma_wait3A_91 : memref<10000x64xf32, #tpu.memory_space<vmem_shared>>)
        tpu.yield
      }) : () -> ()
      %add3A_76 = arith.constant 3 : i32
      %add3A_77 = arith.addi %mul3A_49, %add3A_76 : i32
      %lt3A_78 = arith.constant 78 : i32
      %lt3A_79 = arith.cmpi slt, %add3A_77, %lt3A_78 : i32
      %convert_element_type3A_80 = arith.extui %lt3A_79 : i1 to i32
      %cond3A_81 = arith.constant 0 : i32
      %cond3A_82 = arith.cmpi ne, %convert_element_type3A_80, %cond3A_81 : i32
      scf.if %cond3A_82 {
        %add3A_83 = arith.constant 3 : i32
        %add3A_84 = arith.addi %mul3A_49, %add3A_83 : i32
        %mul3A_85 = arith.constant 128 : i32
        %mul3A_86 = arith.muli %add3A_84, %mul3A_85 : i32
        %dma_start3A_87 = tpu.memref_slice %arg6[%mul3A_86] : memref<10000xi32, #tpu.memory_space<vmem>> -> memref<128xi32, #tpu.memory_space<vmem>>
        %dma_start3A_88 = arith.constant 0 : i32
        %dma_start3A_89 = arith.constant 0 : i32
        %dma_start3A_90 = tpu.memref_slice %arg2[%dma_start3A_88, %dma_start3A_89] : memref<10000x64xf32, #tpu.memory_space<hbm>> -> memref<10000x64xf32, #tpu.memory_space<hbm>>
        tpu.enqueue_indirect_dma source(%dma_start3A_90 : memref<10000x64xf32, #tpu.memory_space<hbm>>) target(%arg9 : memref<128x64xf32, #tpu.memory_space<vmem>>) offsets(%dma_start3A_87 : memref<128xi32, #tpu.memory_space<vmem>>) semaphore(%arg13 : memref<!tpu.dma_semaphore, #tpu.memory_space<semaphore_mem>>)
      } else {
      }
    }
    %scan3A_30 = arith.constant 39 : i32
    %dma_wait3A = arith.constant 9984 : i32
    %dma_wait3A_31 = tpu.memref_slice %arg6[%dma_wait3A] : memref<10000xi32, #tpu.memory_space<vmem>> -> memref<16xi32, #tpu.memory_space<vmem>>
    %dma_wait3A_32 = arith.constant 0 : i32
    %dma_wait3A_33 = arith.constant 0 : i32
    %dma_wait3A_34 = tpu.memref_slice %arg2[%dma_wait3A_32, %dma_wait3A_33] : memref<10000x64xf32, #tpu.memory_space<hbm>> -> memref<10000x64xf32, #tpu.memory_space<hbm>>
    tpu.wait_indirect_dma semaphore(%arg14 : memref<!tpu.dma_semaphore, #tpu.memory_space<semaphore_mem>>) src(%dma_wait3A_34 : memref<10000x64xf32, #tpu.memory_space<hbm>>) dst(%arg10 : memref<16x64xf32, #tpu.memory_space<vmem>>)
    "tpu.region"() ({
      %run_scoped3A_47 = tpu.sem_alloc : memref<!tpu.dma_semaphore, #tpu.memory_space<semaphore_mem>>
      %dma_start3A_48 = arith.constant 9984 : i32
      %dma_start3A_49 = tpu.memref_slice %arg7[%dma_start3A_48] : memref<10000xi32, #tpu.memory_space<vmem>> -> memref<16xi32, #tpu.memory_space<vmem>>
      %dma_start3A_50 = arith.constant 0 : i32
      %dma_start3A_51 = arith.constant 0 : i32
      %dma_start3A_52 = tpu.memref_slice %arg11[%dma_start3A_50, %dma_start3A_51] : memref<10000x64xf32, #tpu.memory_space<vmem_shared>> -> memref<10000x64xf32, #tpu.memory_space<vmem_shared>>
      tpu.enqueue_indirect_dma source(%arg10 : memref<16x64xf32, #tpu.memory_space<vmem>>) target(%dma_start3A_52 : memref<10000x64xf32, #tpu.memory_space<vmem_shared>>) offsets(%dma_start3A_49 : memref<16xi32, #tpu.memory_space<vmem>>) semaphore(%run_scoped3A_47 : memref<!tpu.dma_semaphore, #tpu.memory_space<semaphore_mem>>) {add = true}
      %dma_wait3A_53 = arith.constant 9984 : i32
      %dma_wait3A_54 = tpu.memref_slice %arg7[%dma_wait3A_53] : memref<10000xi32, #tpu.memory_space<vmem>> -> memref<16xi32, #tpu.memory_space<vmem>>
      %dma_wait3A_55 = arith.constant 0 : i32
      %dma_wait3A_56 = arith.constant 0 : i32
      %dma_wait3A_57 = tpu.memref_slice %arg11[%dma_wait3A_55, %dma_wait3A_56] : memref<10000x64xf32, #tpu.memory_space<vmem_shared>> -> memref<10000x64xf32, #tpu.memory_space<vmem_shared>>
      tpu.wait_indirect_dma semaphore(%run_scoped3A_47 : memref<!tpu.dma_semaphore, #tpu.memory_space<semaphore_mem>>) src(%arg10 : memref<16x64xf32, #tpu.memory_space<vmem>>) dst(%dma_wait3A_57 : memref<10000x64xf32, #tpu.memory_space<vmem_shared>>)
      tpu.yield
    }) : () -> ()
    %barrier3A_35 = arith.constant 0 : index
    tpu.barrier barrier_id(%barrier3A_35)
    %mul3A_36 = arith.constant 624 : i32
    %mul3A_37 = arith.muli %arg1, %mul3A_36 : i32
    %mul3A_38 = arith.constant 624 : i32
    %mul3A_39 = arith.muli %arg1, %mul3A_38 : i32
    %mul3A_40 = arith.constant 64 : i32
    %mul3A_41 = arith.muli %arg0, %mul3A_40 : i32
    "tpu.region"() ({
      %run_scoped3A_47 = tpu.sem_alloc : memref<!tpu.dma_semaphore, #tpu.memory_space<semaphore_mem>>
      %dma_start3A_48 = tpu.memref_slice %arg5[%mul3A_39, %mul3A_41] : memref<10000x128xf32, #tpu.memory_space<hbm>> -> memref<624x64xf32, #tpu.memory_space<hbm>>
      %dma_start3A_49 = arith.constant 0 : i32
      %dma_start3A_50 = tpu.memref_slice %arg11[%mul3A_37, %dma_start3A_49] : memref<10000x64xf32, #tpu.memory_space<vmem_shared>> -> memref<624x64xf32, #tpu.memory_space<vmem_shared>>
      tpu.enqueue_dma source(%dma_start3A_50 : memref<624x64xf32, #tpu.memory_space<vmem_shared>>) target(%dma_start3A_48 : memref<624x64xf32, #tpu.memory_space<hbm>>) target_semaphore(%run_scoped3A_47 : memref<!tpu.dma_semaphore, #tpu.memory_space<semaphore_mem>>)
      %dma_wait3A_51 = tpu.memref_slice %arg5[%mul3A_39, %mul3A_41] : memref<10000x128xf32, #tpu.memory_space<hbm>> -> memref<624x64xf32, #tpu.memory_space<hbm>>
      %dma_wait3A_52 = arith.constant 0 : i32
      %dma_wait3A_53 = tpu.memref_slice %arg11[%mul3A_37, %dma_wait3A_52] : memref<10000x64xf32, #tpu.memory_space<vmem_shared>> -> memref<624x64xf32, #tpu.memory_space<vmem_shared>>
      tpu.wait_dma2 semaphore(%run_scoped3A_47 : memref<!tpu.dma_semaphore, #tpu.memory_space<semaphore_mem>>) src(%dma_wait3A_53 : memref<624x64xf32, #tpu.memory_space<vmem_shared>>) dst(%dma_wait3A_51 : memref<624x64xf32, #tpu.memory_space<hbm>>)
      tpu.yield
    }) : () -> ()
    %eq3A_42 = arith.constant 0 : i32
    %eq3A_43 = arith.cmpi eq, %arg1, %eq3A_42 : i32
    %convert_element_type3A_44 = arith.extui %eq3A_43 : i1 to i32
    %cond3A_45 = arith.constant 0 : i32
    %cond3A_46 = arith.cmpi ne, %convert_element_type3A_44, %cond3A_45 : i32
    scf.if %cond3A_46 {
      %mul3A_47 = arith.constant 64 : i32
      %mul3A_48 = arith.muli %arg0, %mul3A_47 : i32
      "tpu.region"() ({
        %run_scoped3A_49 = tpu.sem_alloc : memref<!tpu.dma_semaphore, #tpu.memory_space<semaphore_mem>>
        %dma_start3A_50 = arith.constant 9984 : i32
        %dma_start3A_51 = tpu.memref_slice %arg5[%dma_start3A_50, %mul3A_48] : memref<10000x128xf32, #tpu.memory_space<hbm>> -> memref<16x64xf32, #tpu.memory_space<hbm>>
        %dma_start3A_52 = arith.constant 9984 : i32
        %dma_start3A_53 = arith.constant 0 : i32
        %dma_start3A_54 = tpu.memref_slice %arg11[%dma_start3A_52, %dma_start3A_53] : memref<10000x64xf32, #tpu.memory_space<vmem_shared>> -> memref<16x64xf32, #tpu.memory_space<vmem_shared>>
        tpu.enqueue_dma source(%dma_start3A_54 : memref<16x64xf32, #tpu.memory_space<vmem_shared>>) target(%dma_start3A_51 : memref<16x64xf32, #tpu.memory_space<hbm>>) target_semaphore(%run_scoped3A_49 : memref<!tpu.dma_semaphore, #tpu.memory_space<semaphore_mem>>)
        %dma_wait3A_55 = arith.constant 9984 : i32
        %dma_wait3A_56 = tpu.memref_slice %arg5[%dma_wait3A_55, %mul3A_48] : memref<10000x128xf32, #tpu.memory_space<hbm>> -> memref<16x64xf32, #tpu.memory_space<hbm>>
        %dma_wait3A_57 = arith.constant 9984 : i32
        %dma_wait3A_58 = arith.constant 0 : i32
        %dma_wait3A_59 = tpu.memref_slice %arg11[%dma_wait3A_57, %dma_wait3A_58] : memref<10000x64xf32, #tpu.memory_space<vmem_shared>> -> memref<16x64xf32, #tpu.memory_space<vmem_shared>>
        tpu.wait_dma2 semaphore(%run_scoped3A_49 : memref<!tpu.dma_semaphore, #tpu.memory_space<semaphore_mem>>) src(%dma_wait3A_59 : memref<16x64xf32, #tpu.memory_space<vmem_shared>>) dst(%dma_wait3A_56 : memref<16x64xf32, #tpu.memory_space<hbm>>)
        tpu.yield
      }) : () -> ()
    } else {
    }
    return
  }
}

#map = affine_map<(d0, d1) -> (0, 0)>
#map1 = affine_map<(d0, d1) -> (0)>
module attributes {stable_mosaic.version = 14 : i64} {
  func.func @body(%arg0: i32, %arg1: i32, %arg2: memref<2x320000xi32, #tpu.memory_space<hbm>>, %arg3: memref<10000xf32, #tpu.memory_space<hbm>>, %arg4: memref<2x10000xf32, #tpu.memory_space<hbm>>, %arg5: memref<10000xi32, #tpu.memory_space<vmem>>, %arg6: memref<128xf32, #tpu.memory_space<vmem>>, %arg7: memref<10000xf32, #tpu.memory_space<vmem_shared>>, %arg8: memref<!tpu.dma_semaphore, #tpu.memory_space<semaphore_mem>>, %arg9: memref<!tpu.dma_semaphore, #tpu.memory_space<semaphore_mem>>, %arg10: memref<!tpu.dma_semaphore, #tpu.memory_space<semaphore_mem>>, %arg11: memref<!tpu.dma_semaphore, #tpu.memory_space<semaphore_mem>>) attributes {dimension_semantics = [#tpu.dimension_semantics<core_parallel>, #tpu.dimension_semantics<subcore_parallel>], iteration_bounds = array<i64: 2, 16>, scalar_prefetch = 0 : i64, scratch_operands = 7 : i64, tpu.core_type = #tpu.core_type<sc_vector_subcore>, window_params = [{transform_indices = #map}, {transform_indices = #map1}, {transform_indices = #map}]} {
    %mul3A = arith.constant 2 : i32
    %mul3A_0 = arith.muli %arg1, %mul3A : i32
    %add3A = arith.addi %mul3A_0, %arg0 : i32
    %eq3A = arith.constant 0 : i32
    %eq3A_1 = arith.cmpi eq, %arg1, %eq3A : i32
    %convert_element_type3A = arith.extui %eq3A_1 : i1 to i32
    %cond3A = arith.constant 0 : i32
    %cond3A_2 = arith.cmpi ne, %convert_element_type3A, %cond3A : i32
    scf.if %cond3A_2 {
      "tpu.region"() ({
        %run_scoped3A_104 = tpu.sem_alloc : memref<!tpu.dma_semaphore, #tpu.memory_space<semaphore_mem>>
        %dma_start3A_105 = arith.constant 0 : i32
        %dma_start3A_106 = tpu.memref_slice %arg7[%dma_start3A_105] : memref<10000xf32, #tpu.memory_space<vmem_shared>> -> memref<10000xf32, #tpu.memory_space<vmem_shared>>
        tpu.enqueue_dma source(%arg3 : memref<10000xf32, #tpu.memory_space<hbm>>) target(%dma_start3A_106 : memref<10000xf32, #tpu.memory_space<vmem_shared>>) target_semaphore(%run_scoped3A_104 : memref<!tpu.dma_semaphore, #tpu.memory_space<semaphore_mem>>)
        %dma_wait3A_107 = arith.constant 0 : i32
        %dma_wait3A_108 = tpu.memref_slice %arg7[%dma_wait3A_107] : memref<10000xf32, #tpu.memory_space<vmem_shared>> -> memref<10000xf32, #tpu.memory_space<vmem_shared>>
        tpu.wait_dma2 semaphore(%run_scoped3A_104 : memref<!tpu.dma_semaphore, #tpu.memory_space<semaphore_mem>>) src(%arg3 : memref<10000xf32, #tpu.memory_space<hbm>>) dst(%dma_wait3A_108 : memref<10000xf32, #tpu.memory_space<vmem_shared>>)
        tpu.yield
      }) : () -> ()
    } else {
    }
    %broadcast_in_dim3A = arith.constant 1.000000e+00 : f32
    %broadcast_in_dim3A_3 = vector.broadcast %broadcast_in_dim3A : f32 to vector<16xf32>
    %swap3A = arith.constant 0 : index
    %swap3A_4 = tpu.vector_load %arg6[%swap3A] {strides = array<i32>} : memref<128xf32, #tpu.memory_space<vmem>>, vector<16xf32>,
    %swap3A_5 = vector.shape_cast %swap3A_4 : vector<16xf32> to vector<16xf32>
    %swap3A_6 = vector.shape_cast %broadcast_in_dim3A_3 : vector<16xf32> to vector<16xf32>
    tpu.vector_store %arg6[%swap3A], %swap3A_6 {strides = array<i32>} : memref<128xf32, #tpu.memory_space<vmem>>, vector<16xf32>,
    %broadcast_in_dim3A_7 = arith.constant 1.000000e+00 : f32
    %broadcast_in_dim3A_8 = vector.broadcast %broadcast_in_dim3A_7 : f32 to vector<16xf32>
    %swap3A_9 = arith.constant 16 : index
    %swap3A_10 = tpu.vector_load %arg6[%swap3A_9] {strides = array<i32>} : memref<128xf32, #tpu.memory_space<vmem>>, vector<16xf32>,
    %swap3A_11 = vector.shape_cast %swap3A_10 : vector<16xf32> to vector<16xf32>
    %swap3A_12 = vector.shape_cast %broadcast_in_dim3A_8 : vector<16xf32> to vector<16xf32>
    tpu.vector_store %arg6[%swap3A_9], %swap3A_12 {strides = array<i32>} : memref<128xf32, #tpu.memory_space<vmem>>, vector<16xf32>,
    %broadcast_in_dim3A_13 = arith.constant 1.000000e+00 : f32
    %broadcast_in_dim3A_14 = vector.broadcast %broadcast_in_dim3A_13 : f32 to vector<16xf32>
    %swap3A_15 = arith.constant 32 : index
    %swap3A_16 = tpu.vector_load %arg6[%swap3A_15] {strides = array<i32>} : memref<128xf32, #tpu.memory_space<vmem>>, vector<16xf32>,
    %swap3A_17 = vector.shape_cast %swap3A_16 : vector<16xf32> to vector<16xf32>
    %swap3A_18 = vector.shape_cast %broadcast_in_dim3A_14 : vector<16xf32> to vector<16xf32>
    tpu.vector_store %arg6[%swap3A_15], %swap3A_18 {strides = array<i32>} : memref<128xf32, #tpu.memory_space<vmem>>, vector<16xf32>,
    %broadcast_in_dim3A_19 = arith.constant 1.000000e+00 : f32
    %broadcast_in_dim3A_20 = vector.broadcast %broadcast_in_dim3A_19 : f32 to vector<16xf32>
    %swap3A_21 = arith.constant 48 : index
    %swap3A_22 = tpu.vector_load %arg6[%swap3A_21] {strides = array<i32>} : memref<128xf32, #tpu.memory_space<vmem>>, vector<16xf32>,
    %swap3A_23 = vector.shape_cast %swap3A_22 : vector<16xf32> to vector<16xf32>
    %swap3A_24 = vector.shape_cast %broadcast_in_dim3A_20 : vector<16xf32> to vector<16xf32>
    tpu.vector_store %arg6[%swap3A_21], %swap3A_24 {strides = array<i32>} : memref<128xf32, #tpu.memory_space<vmem>>, vector<16xf32>,
    %broadcast_in_dim3A_25 = arith.constant 1.000000e+00 : f32
    %broadcast_in_dim3A_26 = vector.broadcast %broadcast_in_dim3A_25 : f32 to vector<16xf32>
    %swap3A_27 = arith.constant 64 : index
    %swap3A_28 = tpu.vector_load %arg6[%swap3A_27] {strides = array<i32>} : memref<128xf32, #tpu.memory_space<vmem>>, vector<16xf32>,
    %swap3A_29 = vector.shape_cast %swap3A_28 : vector<16xf32> to vector<16xf32>
    %swap3A_30 = vector.shape_cast %broadcast_in_dim3A_26 : vector<16xf32> to vector<16xf32>
    tpu.vector_store %arg6[%swap3A_27], %swap3A_30 {strides = array<i32>} : memref<128xf32, #tpu.memory_space<vmem>>, vector<16xf32>,
    %broadcast_in_dim3A_31 = arith.constant 1.000000e+00 : f32
    %broadcast_in_dim3A_32 = vector.broadcast %broadcast_in_dim3A_31 : f32 to vector<16xf32>
    %swap3A_33 = arith.constant 80 : index
    %swap3A_34 = tpu.vector_load %arg6[%swap3A_33] {strides = array<i32>} : memref<128xf32, #tpu.memory_space<vmem>>, vector<16xf32>,
    %swap3A_35 = vector.shape_cast %swap3A_34 : vector<16xf32> to vector<16xf32>
    %swap3A_36 = vector.shape_cast %broadcast_in_dim3A_32 : vector<16xf32> to vector<16xf32>
    tpu.vector_store %arg6[%swap3A_33], %swap3A_36 {strides = array<i32>} : memref<128xf32, #tpu.memory_space<vmem>>, vector<16xf32>,
    %broadcast_in_dim3A_37 = arith.constant 1.000000e+00 : f32
    %broadcast_in_dim3A_38 = vector.broadcast %broadcast_in_dim3A_37 : f32 to vector<16xf32>
    %swap3A_39 = arith.constant 96 : index
    %swap3A_40 = tpu.vector_load %arg6[%swap3A_39] {strides = array<i32>} : memref<128xf32, #tpu.memory_space<vmem>>, vector<16xf32>,
    %swap3A_41 = vector.shape_cast %swap3A_40 : vector<16xf32> to vector<16xf32>
    %swap3A_42 = vector.shape_cast %broadcast_in_dim3A_38 : vector<16xf32> to vector<16xf32>
    tpu.vector_store %arg6[%swap3A_39], %swap3A_42 {strides = array<i32>} : memref<128xf32, #tpu.memory_space<vmem>>, vector<16xf32>,
    %broadcast_in_dim3A_43 = arith.constant 1.000000e+00 : f32
    %broadcast_in_dim3A_44 = vector.broadcast %broadcast_in_dim3A_43 : f32 to vector<16xf32>
    %swap3A_45 = arith.constant 112 : index
    %swap3A_46 = tpu.vector_load %arg6[%swap3A_45] {strides = array<i32>} : memref<128xf32, #tpu.memory_space<vmem>>, vector<16xf32>,
    %swap3A_47 = vector.shape_cast %swap3A_46 : vector<16xf32> to vector<16xf32>
    %swap3A_48 = vector.shape_cast %broadcast_in_dim3A_44 : vector<16xf32> to vector<16xf32>
    tpu.vector_store %arg6[%swap3A_45], %swap3A_48 {strides = array<i32>} : memref<128xf32, #tpu.memory_space<vmem>>, vector<16xf32>,
    %barrier3A = arith.constant 0 : index
    tpu.barrier barrier_id(%barrier3A)
    %mul3A_49 = arith.constant 10000 : i32
    %mul3A_50 = arith.muli %add3A, %mul3A_49 : i32
    %run_scoped3A = arith.constant 1 : i32
    "tpu.region"() ({
      %run_scoped3A_104 = tpu.sem_alloc : memref<!tpu.dma_semaphore, #tpu.memory_space<semaphore_mem>>
      %dma_start3A_105 = arith.constant 0 : i32
      %dma_start3A_106 = tpu.memref_slice %arg2[%run_scoped3A, %dma_start3A_105] : memref<2x320000xi32, #tpu.memory_space<hbm>> -> memref<1x320000xi32, #tpu.memory_space<hbm>>
      %dma_start3A_107 = tpu.memref_squeeze %dma_start3A_106 : memref<1x320000xi32, #tpu.memory_space<hbm>> -> memref<320000xi32, #tpu.memory_space<hbm>>
      %dma_start3A_108 = tpu.memref_slice %dma_start3A_107[%mul3A_50] : memref<320000xi32, #tpu.memory_space<hbm>> -> memref<10000xi32, #tpu.memory_space<hbm>>
      %dma_start3A_109 = arith.constant 0 : i32
      %dma_start3A_110 = tpu.memref_slice %arg2[%run_scoped3A, %dma_start3A_109] : memref<2x320000xi32, #tpu.memory_space<hbm>> -> memref<1x320000xi32, #tpu.memory_space<hbm>>
      %dma_start3A_111 = tpu.memref_squeeze %dma_start3A_110 : memref<1x320000xi32, #tpu.memory_space<hbm>> -> memref<320000xi32, #tpu.memory_space<hbm>>
      %dma_start3A_112 = tpu.memref_slice %dma_start3A_111[%mul3A_50] : memref<320000xi32, #tpu.memory_space<hbm>> -> memref<10000xi32, #tpu.memory_space<hbm>>
      tpu.enqueue_dma source(%dma_start3A_112 : memref<10000xi32, #tpu.memory_space<hbm>>) target(%arg5 : memref<10000xi32, #tpu.memory_space<vmem>>) target_semaphore(%run_scoped3A_104 : memref<!tpu.dma_semaphore, #tpu.memory_space<semaphore_mem>>)
      %dma_wait3A_113 = arith.constant 0 : i32
      %dma_wait3A_114 = tpu.memref_slice %arg2[%run_scoped3A, %dma_wait3A_113] : memref<2x320000xi32, #tpu.memory_space<hbm>> -> memref<1x320000xi32, #tpu.memory_space<hbm>>
      %dma_wait3A_115 = tpu.memref_squeeze %dma_wait3A_114 : memref<1x320000xi32, #tpu.memory_space<hbm>> -> memref<320000xi32, #tpu.memory_space<hbm>>
      %dma_wait3A_116 = tpu.memref_slice %dma_wait3A_115[%mul3A_50] : memref<320000xi32, #tpu.memory_space<hbm>> -> memref<10000xi32, #tpu.memory_space<hbm>>
      %dma_wait3A_117 = arith.constant 0 : i32
      %dma_wait3A_118 = tpu.memref_slice %arg2[%run_scoped3A, %dma_wait3A_117] : memref<2x320000xi32, #tpu.memory_space<hbm>> -> memref<1x320000xi32, #tpu.memory_space<hbm>>
      %dma_wait3A_119 = tpu.memref_squeeze %dma_wait3A_118 : memref<1x320000xi32, #tpu.memory_space<hbm>> -> memref<320000xi32, #tpu.memory_space<hbm>>
      %dma_wait3A_120 = tpu.memref_slice %dma_wait3A_119[%mul3A_50] : memref<320000xi32, #tpu.memory_space<hbm>> -> memref<10000xi32, #tpu.memory_space<hbm>>
      tpu.wait_dma2 semaphore(%run_scoped3A_104 : memref<!tpu.dma_semaphore, #tpu.memory_space<semaphore_mem>>) src(%dma_wait3A_120 : memref<10000xi32, #tpu.memory_space<hbm>>) dst(%arg5 : memref<10000xi32, #tpu.memory_space<vmem>>)
      tpu.yield
    }) : () -> ()
    %scan3A = arith.constant 0 : i32
    %scan3A_51 = arith.constant 0 : i32
    %scan3A_52 = arith.constant 19 : i32
    %scan3A_53 = arith.addi %scan3A_51, %scan3A_52 : i32
    %scan3A_54 = arith.constant 1 : i32
    scf.for %scan3A_104 = %scan3A_51 to %scan3A_53 step %scan3A_54  : i32 {
      %mul3A_105 = arith.constant 4 : i32
      %mul3A_106 = arith.muli %mul3A_105, %scan3A_104 : i32
      %gt3A = arith.constant 0 : i32
      %gt3A_107 = arith.cmpi sgt, %scan3A_104, %gt3A : i32
      %convert_element_type3A_108 = arith.extui %gt3A_107 : i1 to i32
      %cond3A_109 = arith.constant 0 : i32
      %cond3A_110 = arith.cmpi ne, %convert_element_type3A_108, %cond3A_109 : i32
      scf.if %cond3A_110 {
        %sub3A = arith.constant 4 : i32
        %sub3A_154 = arith.subi %mul3A_106, %sub3A : i32
        %add3A_155 = arith.constant 0 : i32
        %add3A_156 = arith.addi %sub3A_154, %add3A_155 : i32
        %mul3A_157 = arith.constant 128 : i32
        %mul3A_158 = arith.muli %add3A_156, %mul3A_157 : i32
        %dma_wait3A_159 = tpu.memref_slice %arg5[%mul3A_158] : memref<10000xi32, #tpu.memory_space<vmem>> -> memref<128xi32, #tpu.memory_space<vmem>>
        %dma_wait3A_160 = arith.constant 0 : i32
        %dma_wait3A_161 = tpu.memref_slice %arg7[%dma_wait3A_160] : memref<10000xf32, #tpu.memory_space<vmem_shared>> -> memref<10000xf32, #tpu.memory_space<vmem_shared>>
        tpu.wait_indirect_dma semaphore(%arg8 : memref<!tpu.dma_semaphore, #tpu.memory_space<semaphore_mem>>) src(%arg6 : memref<128xf32, #tpu.memory_space<vmem>>) dst(%dma_wait3A_161 : memref<10000xf32, #tpu.memory_space<vmem_shared>>)
      } else {
      }
      %add3A_111 = arith.constant 0 : i32
      %add3A_112 = arith.addi %mul3A_106, %add3A_111 : i32
      %mul3A_113 = arith.constant 128 : i32
      %mul3A_114 = arith.muli %add3A_112, %mul3A_113 : i32
      %dma_start3A_115 = tpu.memref_slice %arg5[%mul3A_114] : memref<10000xi32, #tpu.memory_space<vmem>> -> memref<128xi32, #tpu.memory_space<vmem>>
      %dma_start3A_116 = arith.constant 0 : i32
      %dma_start3A_117 = tpu.memref_slice %arg7[%dma_start3A_116] : memref<10000xf32, #tpu.memory_space<vmem_shared>> -> memref<10000xf32, #tpu.memory_space<vmem_shared>>
      tpu.enqueue_indirect_dma source(%arg6 : memref<128xf32, #tpu.memory_space<vmem>>) target(%dma_start3A_117 : memref<10000xf32, #tpu.memory_space<vmem_shared>>) offsets(%dma_start3A_115 : memref<128xi32, #tpu.memory_space<vmem>>) semaphore(%arg8 : memref<!tpu.dma_semaphore, #tpu.memory_space<semaphore_mem>>) {add = true}
      %gt3A_118 = arith.constant 0 : i32
      %gt3A_119 = arith.cmpi sgt, %scan3A_104, %gt3A_118 : i32
      %convert_element_type3A_120 = arith.extui %gt3A_119 : i1 to i32
      %cond3A_121 = arith.constant 0 : i32
      %cond3A_122 = arith.cmpi ne, %convert_element_type3A_120, %cond3A_121 : i32
      scf.if %cond3A_122 {
        %sub3A = arith.constant 4 : i32
        %sub3A_154 = arith.subi %mul3A_106, %sub3A : i32
        %add3A_155 = arith.constant 1 : i32
        %add3A_156 = arith.addi %sub3A_154, %add3A_155 : i32
        %mul3A_157 = arith.constant 128 : i32
        %mul3A_158 = arith.muli %add3A_156, %mul3A_157 : i32
        %dma_wait3A_159 = tpu.memref_slice %arg5[%mul3A_158] : memref<10000xi32, #tpu.memory_space<vmem>> -> memref<128xi32, #tpu.memory_space<vmem>>
        %dma_wait3A_160 = arith.constant 0 : i32
        %dma_wait3A_161 = tpu.memref_slice %arg7[%dma_wait3A_160] : memref<10000xf32, #tpu.memory_space<vmem_shared>> -> memref<10000xf32, #tpu.memory_space<vmem_shared>>
        tpu.wait_indirect_dma semaphore(%arg9 : memref<!tpu.dma_semaphore, #tpu.memory_space<semaphore_mem>>) src(%arg6 : memref<128xf32, #tpu.memory_space<vmem>>) dst(%dma_wait3A_161 : memref<10000xf32, #tpu.memory_space<vmem_shared>>)
      } else {
      }
      %add3A_123 = arith.constant 1 : i32
      %add3A_124 = arith.addi %mul3A_106, %add3A_123 : i32
      %mul3A_125 = arith.constant 128 : i32
      %mul3A_126 = arith.muli %add3A_124, %mul3A_125 : i32
      %dma_start3A_127 = tpu.memref_slice %arg5[%mul3A_126] : memref<10000xi32, #tpu.memory_space<vmem>> -> memref<128xi32, #tpu.memory_space<vmem>>
      %dma_start3A_128 = arith.constant 0 : i32
      %dma_start3A_129 = tpu.memref_slice %arg7[%dma_start3A_128] : memref<10000xf32, #tpu.memory_space<vmem_shared>> -> memref<10000xf32, #tpu.memory_space<vmem_shared>>
      tpu.enqueue_indirect_dma source(%arg6 : memref<128xf32, #tpu.memory_space<vmem>>) target(%dma_start3A_129 : memref<10000xf32, #tpu.memory_space<vmem_shared>>) offsets(%dma_start3A_127 : memref<128xi32, #tpu.memory_space<vmem>>) semaphore(%arg9 : memref<!tpu.dma_semaphore, #tpu.memory_space<semaphore_mem>>) {add = true}
      %gt3A_130 = arith.constant 0 : i32
      %gt3A_131 = arith.cmpi sgt, %scan3A_104, %gt3A_130 : i32
      %convert_element_type3A_132 = arith.extui %gt3A_131 : i1 to i32
      %cond3A_133 = arith.constant 0 : i32
      %cond3A_134 = arith.cmpi ne, %convert_element_type3A_132, %cond3A_133 : i32
      scf.if %cond3A_134 {
        %sub3A = arith.constant 4 : i32
        %sub3A_154 = arith.subi %mul3A_106, %sub3A : i32
        %add3A_155 = arith.constant 2 : i32
        %add3A_156 = arith.addi %sub3A_154, %add3A_155 : i32
        %mul3A_157 = arith.constant 128 : i32
        %mul3A_158 = arith.muli %add3A_156, %mul3A_157 : i32
        %dma_wait3A_159 = tpu.memref_slice %arg5[%mul3A_158] : memref<10000xi32, #tpu.memory_space<vmem>> -> memref<128xi32, #tpu.memory_space<vmem>>
        %dma_wait3A_160 = arith.constant 0 : i32
        %dma_wait3A_161 = tpu.memref_slice %arg7[%dma_wait3A_160] : memref<10000xf32, #tpu.memory_space<vmem_shared>> -> memref<10000xf32, #tpu.memory_space<vmem_shared>>
        tpu.wait_indirect_dma semaphore(%arg10 : memref<!tpu.dma_semaphore, #tpu.memory_space<semaphore_mem>>) src(%arg6 : memref<128xf32, #tpu.memory_space<vmem>>) dst(%dma_wait3A_161 : memref<10000xf32, #tpu.memory_space<vmem_shared>>)
      } else {
      }
      %add3A_135 = arith.constant 2 : i32
      %add3A_136 = arith.addi %mul3A_106, %add3A_135 : i32
      %mul3A_137 = arith.constant 128 : i32
      %mul3A_138 = arith.muli %add3A_136, %mul3A_137 : i32
      %dma_start3A_139 = tpu.memref_slice %arg5[%mul3A_138] : memref<10000xi32, #tpu.memory_space<vmem>> -> memref<128xi32, #tpu.memory_space<vmem>>
      %dma_start3A_140 = arith.constant 0 : i32
      %dma_start3A_141 = tpu.memref_slice %arg7[%dma_start3A_140] : memref<10000xf32, #tpu.memory_space<vmem_shared>> -> memref<10000xf32, #tpu.memory_space<vmem_shared>>
      tpu.enqueue_indirect_dma source(%arg6 : memref<128xf32, #tpu.memory_space<vmem>>) target(%dma_start3A_141 : memref<10000xf32, #tpu.memory_space<vmem_shared>>) offsets(%dma_start3A_139 : memref<128xi32, #tpu.memory_space<vmem>>) semaphore(%arg10 : memref<!tpu.dma_semaphore, #tpu.memory_space<semaphore_mem>>) {add = true}
      %gt3A_142 = arith.constant 0 : i32
      %gt3A_143 = arith.cmpi sgt, %scan3A_104, %gt3A_142 : i32
      %convert_element_type3A_144 = arith.extui %gt3A_143 : i1 to i32
      %cond3A_145 = arith.constant 0 : i32
      %cond3A_146 = arith.cmpi ne, %convert_element_type3A_144, %cond3A_145 : i32
      scf.if %cond3A_146 {
        %sub3A = arith.constant 4 : i32
        %sub3A_154 = arith.subi %mul3A_106, %sub3A : i32
        %add3A_155 = arith.constant 3 : i32
        %add3A_156 = arith.addi %sub3A_154, %add3A_155 : i32
        %mul3A_157 = arith.constant 128 : i32
        %mul3A_158 = arith.muli %add3A_156, %mul3A_157 : i32
        %dma_wait3A_159 = tpu.memref_slice %arg5[%mul3A_158] : memref<10000xi32, #tpu.memory_space<vmem>> -> memref<128xi32, #tpu.memory_space<vmem>>
        %dma_wait3A_160 = arith.constant 0 : i32
        %dma_wait3A_161 = tpu.memref_slice %arg7[%dma_wait3A_160] : memref<10000xf32, #tpu.memory_space<vmem_shared>> -> memref<10000xf32, #tpu.memory_space<vmem_shared>>
        tpu.wait_indirect_dma semaphore(%arg11 : memref<!tpu.dma_semaphore, #tpu.memory_space<semaphore_mem>>) src(%arg6 : memref<128xf32, #tpu.memory_space<vmem>>) dst(%dma_wait3A_161 : memref<10000xf32, #tpu.memory_space<vmem_shared>>)
      } else {
      }
      %add3A_147 = arith.constant 3 : i32
      %add3A_148 = arith.addi %mul3A_106, %add3A_147 : i32
      %mul3A_149 = arith.constant 128 : i32
      %mul3A_150 = arith.muli %add3A_148, %mul3A_149 : i32
      %dma_start3A_151 = tpu.memref_slice %arg5[%mul3A_150] : memref<10000xi32, #tpu.memory_space<vmem>> -> memref<128xi32, #tpu.memory_space<vmem>>
      %dma_start3A_152 = arith.constant 0 : i32
      %dma_start3A_153 = tpu.memref_slice %arg7[%dma_start3A_152] : memref<10000xf32, #tpu.memory_space<vmem_shared>> -> memref<10000xf32, #tpu.memory_space<vmem_shared>>
      tpu.enqueue_indirect_dma source(%arg6 : memref<128xf32, #tpu.memory_space<vmem>>) target(%dma_start3A_153 : memref<10000xf32, #tpu.memory_space<vmem_shared>>) offsets(%dma_start3A_151 : memref<128xi32, #tpu.memory_space<vmem>>) semaphore(%arg11 : memref<!tpu.dma_semaphore, #tpu.memory_space<semaphore_mem>>) {add = true}
    }
    %scan3A_55 = arith.constant 19 : i32
    %dma_wait3A = arith.constant 0 : i32
    %dma_wait3A_56 = tpu.memref_slice %arg5[%dma_wait3A] : memref<10000xi32, #tpu.memory_space<vmem>> -> memref<128xi32, #tpu.memory_space<vmem>>
    %dma_wait3A_57 = arith.constant 0 : i32
    %dma_wait3A_58 = tpu.memref_slice %arg7[%dma_wait3A_57] : memref<10000xf32, #tpu.memory_space<vmem_shared>> -> memref<10000xf32, #tpu.memory_space<vmem_shared>>
    tpu.wait_indirect_dma semaphore(%arg8 : memref<!tpu.dma_semaphore, #tpu.memory_space<semaphore_mem>>) src(%arg6 : memref<128xf32, #tpu.memory_space<vmem>>) dst(%dma_wait3A_58 : memref<10000xf32, #tpu.memory_space<vmem_shared>>)
    %dma_start3A = arith.constant 9728 : i32
    %dma_start3A_59 = tpu.memref_slice %arg5[%dma_start3A] : memref<10000xi32, #tpu.memory_space<vmem>> -> memref<128xi32, #tpu.memory_space<vmem>>
    %dma_start3A_60 = arith.constant 0 : i32
    %dma_start3A_61 = tpu.memref_slice %arg7[%dma_start3A_60] : memref<10000xf32, #tpu.memory_space<vmem_shared>> -> memref<10000xf32, #tpu.memory_space<vmem_shared>>
    tpu.enqueue_indirect_dma source(%arg6 : memref<128xf32, #tpu.memory_space<vmem>>) target(%dma_start3A_61 : memref<10000xf32, #tpu.memory_space<vmem_shared>>) offsets(%dma_start3A_59 : memref<128xi32, #tpu.memory_space<vmem>>) semaphore(%arg8 : memref<!tpu.dma_semaphore, #tpu.memory_space<semaphore_mem>>) {add = true}
    %dma_wait3A_62 = arith.constant 0 : i32
    %dma_wait3A_63 = tpu.memref_slice %arg5[%dma_wait3A_62] : memref<10000xi32, #tpu.memory_space<vmem>> -> memref<128xi32, #tpu.memory_space<vmem>>
    %dma_wait3A_64 = arith.constant 0 : i32
    %dma_wait3A_65 = tpu.memref_slice %arg7[%dma_wait3A_64] : memref<10000xf32, #tpu.memory_space<vmem_shared>> -> memref<10000xf32, #tpu.memory_space<vmem_shared>>
    tpu.wait_indirect_dma semaphore(%arg9 : memref<!tpu.dma_semaphore, #tpu.memory_space<semaphore_mem>>) src(%arg6 : memref<128xf32, #tpu.memory_space<vmem>>) dst(%dma_wait3A_65 : memref<10000xf32, #tpu.memory_space<vmem_shared>>)
    %dma_start3A_66 = arith.constant 9856 : i32
    %dma_start3A_67 = tpu.memref_slice %arg5[%dma_start3A_66] : memref<10000xi32, #tpu.memory_space<vmem>> -> memref<128xi32, #tpu.memory_space<vmem>>
    %dma_start3A_68 = arith.constant 0 : i32
    %dma_start3A_69 = tpu.memref_slice %arg7[%dma_start3A_68] : memref<10000xf32, #tpu.memory_space<vmem_shared>> -> memref<10000xf32, #tpu.memory_space<vmem_shared>>
    tpu.enqueue_indirect_dma source(%arg6 : memref<128xf32, #tpu.memory_space<vmem>>) target(%dma_start3A_69 : memref<10000xf32, #tpu.memory_space<vmem_shared>>) offsets(%dma_start3A_67 : memref<128xi32, #tpu.memory_space<vmem>>) semaphore(%arg9 : memref<!tpu.dma_semaphore, #tpu.memory_space<semaphore_mem>>) {add = true}
    %dma_wait3A_70 = arith.constant 0 : i32
    %dma_wait3A_71 = tpu.memref_slice %arg5[%dma_wait3A_70] : memref<10000xi32, #tpu.memory_space<vmem>> -> memref<128xi32, #tpu.memory_space<vmem>>
    %dma_wait3A_72 = arith.constant 0 : i32
    %dma_wait3A_73 = tpu.memref_slice %arg7[%dma_wait3A_72] : memref<10000xf32, #tpu.memory_space<vmem_shared>> -> memref<10000xf32, #tpu.memory_space<vmem_shared>>
    tpu.wait_indirect_dma semaphore(%arg10 : memref<!tpu.dma_semaphore, #tpu.memory_space<semaphore_mem>>) src(%arg6 : memref<128xf32, #tpu.memory_space<vmem>>) dst(%dma_wait3A_73 : memref<10000xf32, #tpu.memory_space<vmem_shared>>)
    %dma_start3A_74 = arith.constant 0 : i32
    %dma_start3A_75 = tpu.memref_slice %arg6[%dma_start3A_74] : memref<128xf32, #tpu.memory_space<vmem>> -> memref<16xf32, #tpu.memory_space<vmem>>
    %dma_start3A_76 = arith.constant 9984 : i32
    %dma_start3A_77 = tpu.memref_slice %arg5[%dma_start3A_76] : memref<10000xi32, #tpu.memory_space<vmem>> -> memref<16xi32, #tpu.memory_space<vmem>>
    %dma_start3A_78 = arith.constant 0 : i32
    %dma_start3A_79 = tpu.memref_slice %arg7[%dma_start3A_78] : memref<10000xf32, #tpu.memory_space<vmem_shared>> -> memref<10000xf32, #tpu.memory_space<vmem_shared>>
    tpu.enqueue_indirect_dma source(%dma_start3A_75 : memref<16xf32, #tpu.memory_space<vmem>>) target(%dma_start3A_79 : memref<10000xf32, #tpu.memory_space<vmem_shared>>) offsets(%dma_start3A_77 : memref<16xi32, #tpu.memory_space<vmem>>) semaphore(%arg10 : memref<!tpu.dma_semaphore, #tpu.memory_space<semaphore_mem>>) {add = true}
    %dma_wait3A_80 = arith.constant 0 : i32
    %dma_wait3A_81 = tpu.memref_slice %arg5[%dma_wait3A_80] : memref<10000xi32, #tpu.memory_space<vmem>> -> memref<128xi32, #tpu.memory_space<vmem>>
    %dma_wait3A_82 = arith.constant 0 : i32
    %dma_wait3A_83 = tpu.memref_slice %arg7[%dma_wait3A_82] : memref<10000xf32, #tpu.memory_space<vmem_shared>> -> memref<10000xf32, #tpu.memory_space<vmem_shared>>
    tpu.wait_indirect_dma semaphore(%arg8 : memref<!tpu.dma_semaphore, #tpu.memory_space<semaphore_mem>>) src(%arg6 : memref<128xf32, #tpu.memory_space<vmem>>) dst(%dma_wait3A_83 : memref<10000xf32, #tpu.memory_space<vmem_shared>>)
    %dma_wait3A_84 = arith.constant 0 : i32
    %dma_wait3A_85 = tpu.memref_slice %arg5[%dma_wait3A_84] : memref<10000xi32, #tpu.memory_space<vmem>> -> memref<128xi32, #tpu.memory_space<vmem>>
    %dma_wait3A_86 = arith.constant 0 : i32
    %dma_wait3A_87 = tpu.memref_slice %arg7[%dma_wait3A_86] : memref<10000xf32, #tpu.memory_space<vmem_shared>> -> memref<10000xf32, #tpu.memory_space<vmem_shared>>
    tpu.wait_indirect_dma semaphore(%arg9 : memref<!tpu.dma_semaphore, #tpu.memory_space<semaphore_mem>>) src(%arg6 : memref<128xf32, #tpu.memory_space<vmem>>) dst(%dma_wait3A_87 : memref<10000xf32, #tpu.memory_space<vmem_shared>>)
    %dma_wait3A_88 = arith.constant 0 : i32
    %dma_wait3A_89 = tpu.memref_slice %arg6[%dma_wait3A_88] : memref<128xf32, #tpu.memory_space<vmem>> -> memref<16xf32, #tpu.memory_space<vmem>>
    %dma_wait3A_90 = arith.constant 9984 : i32
    %dma_wait3A_91 = tpu.memref_slice %arg5[%dma_wait3A_90] : memref<10000xi32, #tpu.memory_space<vmem>> -> memref<16xi32, #tpu.memory_space<vmem>>
    %dma_wait3A_92 = arith.constant 0 : i32
    %dma_wait3A_93 = tpu.memref_slice %arg7[%dma_wait3A_92] : memref<10000xf32, #tpu.memory_space<vmem_shared>> -> memref<10000xf32, #tpu.memory_space<vmem_shared>>
    tpu.wait_indirect_dma semaphore(%arg10 : memref<!tpu.dma_semaphore, #tpu.memory_space<semaphore_mem>>) src(%dma_wait3A_89 : memref<16xf32, #tpu.memory_space<vmem>>) dst(%dma_wait3A_93 : memref<10000xf32, #tpu.memory_space<vmem_shared>>)
    %dma_wait3A_94 = arith.constant 0 : i32
    %dma_wait3A_95 = tpu.memref_slice %arg5[%dma_wait3A_94] : memref<10000xi32, #tpu.memory_space<vmem>> -> memref<128xi32, #tpu.memory_space<vmem>>
    %dma_wait3A_96 = arith.constant 0 : i32
    %dma_wait3A_97 = tpu.memref_slice %arg7[%dma_wait3A_96] : memref<10000xf32, #tpu.memory_space<vmem_shared>> -> memref<10000xf32, #tpu.memory_space<vmem_shared>>
    tpu.wait_indirect_dma semaphore(%arg11 : memref<!tpu.dma_semaphore, #tpu.memory_space<semaphore_mem>>) src(%arg6 : memref<128xf32, #tpu.memory_space<vmem>>) dst(%dma_wait3A_97 : memref<10000xf32, #tpu.memory_space<vmem_shared>>)
    %barrier3A_98 = arith.constant 0 : index
    tpu.barrier barrier_id(%barrier3A_98)
    %eq3A_99 = arith.constant 0 : i32
    %eq3A_100 = arith.cmpi eq, %arg1, %eq3A_99 : i32
    %convert_element_type3A_101 = arith.extui %eq3A_100 : i1 to i32
    %cond3A_102 = arith.constant 0 : i32
    %cond3A_103 = arith.cmpi ne, %convert_element_type3A_101, %cond3A_102 : i32
    scf.if %cond3A_103 {
      "tpu.region"() ({
        %run_scoped3A_104 = tpu.sem_alloc : memref<!tpu.dma_semaphore, #tpu.memory_space<semaphore_mem>>
        %dma_start3A_105 = arith.constant 0 : i32
        %dma_start3A_106 = tpu.memref_slice %arg4[%arg0, %dma_start3A_105] : memref<2x10000xf32, #tpu.memory_space<hbm>> -> memref<1x10000xf32, #tpu.memory_space<hbm>>
        %dma_start3A_107 = tpu.memref_squeeze %dma_start3A_106 : memref<1x10000xf32, #tpu.memory_space<hbm>> -> memref<10000xf32, #tpu.memory_space<hbm>>
        %dma_start3A_108 = arith.constant 0 : i32
        %dma_start3A_109 = tpu.memref_slice %arg7[%dma_start3A_108] : memref<10000xf32, #tpu.memory_space<vmem_shared>> -> memref<10000xf32, #tpu.memory_space<vmem_shared>>
        tpu.enqueue_dma source(%dma_start3A_109 : memref<10000xf32, #tpu.memory_space<vmem_shared>>) target(%dma_start3A_107 : memref<10000xf32, #tpu.memory_space<hbm>>) target_semaphore(%run_scoped3A_104 : memref<!tpu.dma_semaphore, #tpu.memory_space<semaphore_mem>>)
        %dma_wait3A_110 = arith.constant 0 : i32
        %dma_wait3A_111 = tpu.memref_slice %arg4[%arg0, %dma_wait3A_110] : memref<2x10000xf32, #tpu.memory_space<hbm>> -> memref<1x10000xf32, #tpu.memory_space<hbm>>
        %dma_wait3A_112 = tpu.memref_squeeze %dma_wait3A_111 : memref<1x10000xf32, #tpu.memory_space<hbm>> -> memref<10000xf32, #tpu.memory_space<hbm>>
        %dma_wait3A_113 = arith.constant 0 : i32
        %dma_wait3A_114 = tpu.memref_slice %arg7[%dma_wait3A_113] : memref<10000xf32, #tpu.memory_space<vmem_shared>> -> memref<10000xf32, #tpu.memory_space<vmem_shared>>
        tpu.wait_dma2 semaphore(%run_scoped3A_104 : memref<!tpu.dma_semaphore, #tpu.memory_space<semaphore_mem>>) src(%dma_wait3A_114 : memref<10000xf32, #tpu.memory_space<vmem_shared>>) dst(%dma_wait3A_112 : memref<10000xf32, #tpu.memory_space<hbm>>)
        tpu.yield
      }) : () -> ()
    } else {
    }
    return
  }
}

#map = affine_map<(d0, d1) -> (0, 0)>
module attributes {stable_mosaic.version = 14 : i64} {
  func.func @body(%arg0: i32, %arg1: i32, %arg2: memref<10000x16xf32, #tpu.memory_space<hbm>>, %arg3: memref<2x320000xi32, #tpu.memory_space<hbm>>, %arg4: memref<10000x16xf32, #tpu.memory_space<hbm>>, %arg5: memref<10000x32xf32, #tpu.memory_space<hbm>>, %arg6: memref<10000xi32, #tpu.memory_space<vmem>>, %arg7: memref<10000xi32, #tpu.memory_space<vmem>>, %arg8: memref<128x16xf32, #tpu.memory_space<vmem>>, %arg9: memref<128x16xf32, #tpu.memory_space<vmem>>, %arg10: memref<16x16xf32, #tpu.memory_space<vmem>>, %arg11: memref<10000x16xf32, #tpu.memory_space<vmem_shared>>, %arg12: memref<!tpu.dma_semaphore, #tpu.memory_space<semaphore_mem>>, %arg13: memref<!tpu.dma_semaphore, #tpu.memory_space<semaphore_mem>>, %arg14: memref<!tpu.dma_semaphore, #tpu.memory_space<semaphore_mem>>) attributes {dimension_semantics = [#tpu.dimension_semantics<core_parallel>, #tpu.dimension_semantics<subcore_parallel>], iteration_bounds = array<i64: 2, 16>, scalar_prefetch = 0 : i64, scratch_operands = 9 : i64, tpu.core_type = #tpu.core_type<sc_vector_subcore>, window_params = [{transform_indices = #map}, {transform_indices = #map}, {transform_indices = #map}, {transform_indices = #map}]} {
    %mul3A = arith.constant 2 : i32
    %mul3A_0 = arith.muli %arg1, %mul3A : i32
    %add3A = arith.addi %mul3A_0, %arg0 : i32
    %mul3A_1 = arith.constant 624 : i32
    %mul3A_2 = arith.muli %arg1, %mul3A_1 : i32
    %mul3A_3 = arith.constant 624 : i32
    %mul3A_4 = arith.muli %arg1, %mul3A_3 : i32
    "tpu.region"() ({
      %run_scoped3A_47 = tpu.sem_alloc : memref<!tpu.dma_semaphore, #tpu.memory_space<semaphore_mem>>
      %dma_start3A_48 = arith.constant 0 : i32
      %dma_start3A_49 = tpu.memref_slice %arg11[%mul3A_4, %dma_start3A_48] : memref<10000x16xf32, #tpu.memory_space<vmem_shared>> -> memref<624x16xf32, #tpu.memory_space<vmem_shared>>
      %dma_start3A_50 = arith.constant 0 : i32
      %dma_start3A_51 = tpu.memref_slice %arg4[%mul3A_2, %dma_start3A_50] : memref<10000x16xf32, #tpu.memory_space<hbm>> -> memref<624x16xf32, #tpu.memory_space<hbm>>
      tpu.enqueue_dma source(%dma_start3A_51 : memref<624x16xf32, #tpu.memory_space<hbm>>) target(%dma_start3A_49 : memref<624x16xf32, #tpu.memory_space<vmem_shared>>) target_semaphore(%run_scoped3A_47 : memref<!tpu.dma_semaphore, #tpu.memory_space<semaphore_mem>>)
      %dma_wait3A_52 = arith.constant 0 : i32
      %dma_wait3A_53 = tpu.memref_slice %arg11[%mul3A_4, %dma_wait3A_52] : memref<10000x16xf32, #tpu.memory_space<vmem_shared>> -> memref<624x16xf32, #tpu.memory_space<vmem_shared>>
      %dma_wait3A_54 = arith.constant 0 : i32
      %dma_wait3A_55 = tpu.memref_slice %arg4[%mul3A_2, %dma_wait3A_54] : memref<10000x16xf32, #tpu.memory_space<hbm>> -> memref<624x16xf32, #tpu.memory_space<hbm>>
      tpu.wait_dma2 semaphore(%run_scoped3A_47 : memref<!tpu.dma_semaphore, #tpu.memory_space<semaphore_mem>>) src(%dma_wait3A_55 : memref<624x16xf32, #tpu.memory_space<hbm>>) dst(%dma_wait3A_53 : memref<624x16xf32, #tpu.memory_space<vmem_shared>>)
      tpu.yield
    }) : () -> ()
    %eq3A = arith.constant 0 : i32
    %eq3A_5 = arith.cmpi eq, %arg1, %eq3A : i32
    %convert_element_type3A = arith.extui %eq3A_5 : i1 to i32
    %cond3A = arith.constant 0 : i32
    %cond3A_6 = arith.cmpi ne, %convert_element_type3A, %cond3A : i32
    scf.if %cond3A_6 {
      "tpu.region"() ({
        %run_scoped3A_47 = tpu.sem_alloc : memref<!tpu.dma_semaphore, #tpu.memory_space<semaphore_mem>>
        %dma_start3A_48 = arith.constant 9984 : i32
        %dma_start3A_49 = arith.constant 0 : i32
        %dma_start3A_50 = tpu.memref_slice %arg11[%dma_start3A_48, %dma_start3A_49] : memref<10000x16xf32, #tpu.memory_space<vmem_shared>> -> memref<16x16xf32, #tpu.memory_space<vmem_shared>>
        %dma_start3A_51 = arith.constant 9984 : i32
        %dma_start3A_52 = arith.constant 0 : i32
        %dma_start3A_53 = tpu.memref_slice %arg4[%dma_start3A_51, %dma_start3A_52] : memref<10000x16xf32, #tpu.memory_space<hbm>> -> memref<16x16xf32, #tpu.memory_space<hbm>>
        tpu.enqueue_dma source(%dma_start3A_53 : memref<16x16xf32, #tpu.memory_space<hbm>>) target(%dma_start3A_50 : memref<16x16xf32, #tpu.memory_space<vmem_shared>>) target_semaphore(%run_scoped3A_47 : memref<!tpu.dma_semaphore, #tpu.memory_space<semaphore_mem>>)
        %dma_wait3A_54 = arith.constant 9984 : i32
        %dma_wait3A_55 = arith.constant 0 : i32
        %dma_wait3A_56 = tpu.memref_slice %arg11[%dma_wait3A_54, %dma_wait3A_55] : memref<10000x16xf32, #tpu.memory_space<vmem_shared>> -> memref<16x16xf32, #tpu.memory_space<vmem_shared>>
        %dma_wait3A_57 = arith.constant 9984 : i32
        %dma_wait3A_58 = arith.constant 0 : i32
        %dma_wait3A_59 = tpu.memref_slice %arg4[%dma_wait3A_57, %dma_wait3A_58] : memref<10000x16xf32, #tpu.memory_space<hbm>> -> memref<16x16xf32, #tpu.memory_space<hbm>>
        tpu.wait_dma2 semaphore(%run_scoped3A_47 : memref<!tpu.dma_semaphore, #tpu.memory_space<semaphore_mem>>) src(%dma_wait3A_59 : memref<16x16xf32, #tpu.memory_space<hbm>>) dst(%dma_wait3A_56 : memref<16x16xf32, #tpu.memory_space<vmem_shared>>)
        tpu.yield
      }) : () -> ()
    } else {
    }
    %barrier3A = arith.constant 0 : index
    tpu.barrier barrier_id(%barrier3A)
    %mul3A_7 = arith.constant 10000 : i32
    %mul3A_8 = arith.muli %add3A, %mul3A_7 : i32
    %run_scoped3A = arith.constant 0 : i32
    "tpu.region"() ({
      %run_scoped3A_47 = tpu.sem_alloc : memref<!tpu.dma_semaphore, #tpu.memory_space<semaphore_mem>>
      %dma_start3A_48 = arith.constant 0 : i32
      %dma_start3A_49 = tpu.memref_slice %arg3[%run_scoped3A, %dma_start3A_48] : memref<2x320000xi32, #tpu.memory_space<hbm>> -> memref<1x320000xi32, #tpu.memory_space<hbm>>
      %dma_start3A_50 = tpu.memref_squeeze %dma_start3A_49 : memref<1x320000xi32, #tpu.memory_space<hbm>> -> memref<320000xi32, #tpu.memory_space<hbm>>
      %dma_start3A_51 = tpu.memref_slice %dma_start3A_50[%mul3A_8] : memref<320000xi32, #tpu.memory_space<hbm>> -> memref<10000xi32, #tpu.memory_space<hbm>>
      %dma_start3A_52 = arith.constant 0 : i32
      %dma_start3A_53 = tpu.memref_slice %arg3[%run_scoped3A, %dma_start3A_52] : memref<2x320000xi32, #tpu.memory_space<hbm>> -> memref<1x320000xi32, #tpu.memory_space<hbm>>
      %dma_start3A_54 = tpu.memref_squeeze %dma_start3A_53 : memref<1x320000xi32, #tpu.memory_space<hbm>> -> memref<320000xi32, #tpu.memory_space<hbm>>
      %dma_start3A_55 = tpu.memref_slice %dma_start3A_54[%mul3A_8] : memref<320000xi32, #tpu.memory_space<hbm>> -> memref<10000xi32, #tpu.memory_space<hbm>>
      tpu.enqueue_dma source(%dma_start3A_55 : memref<10000xi32, #tpu.memory_space<hbm>>) target(%arg6 : memref<10000xi32, #tpu.memory_space<vmem>>) target_semaphore(%run_scoped3A_47 : memref<!tpu.dma_semaphore, #tpu.memory_space<semaphore_mem>>)
      %dma_wait3A_56 = arith.constant 0 : i32
      %dma_wait3A_57 = tpu.memref_slice %arg3[%run_scoped3A, %dma_wait3A_56] : memref<2x320000xi32, #tpu.memory_space<hbm>> -> memref<1x320000xi32, #tpu.memory_space<hbm>>
      %dma_wait3A_58 = tpu.memref_squeeze %dma_wait3A_57 : memref<1x320000xi32, #tpu.memory_space<hbm>> -> memref<320000xi32, #tpu.memory_space<hbm>>
      %dma_wait3A_59 = tpu.memref_slice %dma_wait3A_58[%mul3A_8] : memref<320000xi32, #tpu.memory_space<hbm>> -> memref<10000xi32, #tpu.memory_space<hbm>>
      %dma_wait3A_60 = arith.constant 0 : i32
      %dma_wait3A_61 = tpu.memref_slice %arg3[%run_scoped3A, %dma_wait3A_60] : memref<2x320000xi32, #tpu.memory_space<hbm>> -> memref<1x320000xi32, #tpu.memory_space<hbm>>
      %dma_wait3A_62 = tpu.memref_squeeze %dma_wait3A_61 : memref<1x320000xi32, #tpu.memory_space<hbm>> -> memref<320000xi32, #tpu.memory_space<hbm>>
      %dma_wait3A_63 = tpu.memref_slice %dma_wait3A_62[%mul3A_8] : memref<320000xi32, #tpu.memory_space<hbm>> -> memref<10000xi32, #tpu.memory_space<hbm>>
      tpu.wait_dma2 semaphore(%run_scoped3A_47 : memref<!tpu.dma_semaphore, #tpu.memory_space<semaphore_mem>>) src(%dma_wait3A_63 : memref<10000xi32, #tpu.memory_space<hbm>>) dst(%arg6 : memref<10000xi32, #tpu.memory_space<vmem>>)
      tpu.yield
    }) : () -> ()
    %mul3A_9 = arith.constant 10000 : i32
    %mul3A_10 = arith.muli %add3A, %mul3A_9 : i32
    %run_scoped3A_11 = arith.constant 1 : i32
    "tpu.region"() ({
      %run_scoped3A_47 = tpu.sem_alloc : memref<!tpu.dma_semaphore, #tpu.memory_space<semaphore_mem>>
      %dma_start3A_48 = arith.constant 0 : i32
      %dma_start3A_49 = tpu.memref_slice %arg3[%run_scoped3A_11, %dma_start3A_48] : memref<2x320000xi32, #tpu.memory_space<hbm>> -> memref<1x320000xi32, #tpu.memory_space<hbm>>
      %dma_start3A_50 = tpu.memref_squeeze %dma_start3A_49 : memref<1x320000xi32, #tpu.memory_space<hbm>> -> memref<320000xi32, #tpu.memory_space<hbm>>
      %dma_start3A_51 = tpu.memref_slice %dma_start3A_50[%mul3A_10] : memref<320000xi32, #tpu.memory_space<hbm>> -> memref<10000xi32, #tpu.memory_space<hbm>>
      %dma_start3A_52 = arith.constant 0 : i32
      %dma_start3A_53 = tpu.memref_slice %arg3[%run_scoped3A_11, %dma_start3A_52] : memref<2x320000xi32, #tpu.memory_space<hbm>> -> memref<1x320000xi32, #tpu.memory_space<hbm>>
      %dma_start3A_54 = tpu.memref_squeeze %dma_start3A_53 : memref<1x320000xi32, #tpu.memory_space<hbm>> -> memref<320000xi32, #tpu.memory_space<hbm>>
      %dma_start3A_55 = tpu.memref_slice %dma_start3A_54[%mul3A_10] : memref<320000xi32, #tpu.memory_space<hbm>> -> memref<10000xi32, #tpu.memory_space<hbm>>
      tpu.enqueue_dma source(%dma_start3A_55 : memref<10000xi32, #tpu.memory_space<hbm>>) target(%arg7 : memref<10000xi32, #tpu.memory_space<vmem>>) target_semaphore(%run_scoped3A_47 : memref<!tpu.dma_semaphore, #tpu.memory_space<semaphore_mem>>)
      %dma_wait3A_56 = arith.constant 0 : i32
      %dma_wait3A_57 = tpu.memref_slice %arg3[%run_scoped3A_11, %dma_wait3A_56] : memref<2x320000xi32, #tpu.memory_space<hbm>> -> memref<1x320000xi32, #tpu.memory_space<hbm>>
      %dma_wait3A_58 = tpu.memref_squeeze %dma_wait3A_57 : memref<1x320000xi32, #tpu.memory_space<hbm>> -> memref<320000xi32, #tpu.memory_space<hbm>>
      %dma_wait3A_59 = tpu.memref_slice %dma_wait3A_58[%mul3A_10] : memref<320000xi32, #tpu.memory_space<hbm>> -> memref<10000xi32, #tpu.memory_space<hbm>>
      %dma_wait3A_60 = arith.constant 0 : i32
      %dma_wait3A_61 = tpu.memref_slice %arg3[%run_scoped3A_11, %dma_wait3A_60] : memref<2x320000xi32, #tpu.memory_space<hbm>> -> memref<1x320000xi32, #tpu.memory_space<hbm>>
      %dma_wait3A_62 = tpu.memref_squeeze %dma_wait3A_61 : memref<1x320000xi32, #tpu.memory_space<hbm>> -> memref<320000xi32, #tpu.memory_space<hbm>>
      %dma_wait3A_63 = tpu.memref_slice %dma_wait3A_62[%mul3A_10] : memref<320000xi32, #tpu.memory_space<hbm>> -> memref<10000xi32, #tpu.memory_space<hbm>>
      tpu.wait_dma2 semaphore(%run_scoped3A_47 : memref<!tpu.dma_semaphore, #tpu.memory_space<semaphore_mem>>) src(%dma_wait3A_63 : memref<10000xi32, #tpu.memory_space<hbm>>) dst(%arg7 : memref<10000xi32, #tpu.memory_space<vmem>>)
      tpu.yield
    }) : () -> ()
    %dma_start3A = arith.constant 0 : i32
    %dma_start3A_12 = tpu.memref_slice %arg6[%dma_start3A] : memref<10000xi32, #tpu.memory_space<vmem>> -> memref<128xi32, #tpu.memory_space<vmem>>
    %dma_start3A_13 = arith.constant 0 : i32
    %dma_start3A_14 = arith.constant 0 : i32
    %dma_start3A_15 = tpu.memref_slice %arg2[%dma_start3A_13, %dma_start3A_14] : memref<10000x16xf32, #tpu.memory_space<hbm>> -> memref<10000x16xf32, #tpu.memory_space<hbm>>
    tpu.enqueue_indirect_dma source(%dma_start3A_15 : memref<10000x16xf32, #tpu.memory_space<hbm>>) target(%arg8 : memref<128x16xf32, #tpu.memory_space<vmem>>) offsets(%dma_start3A_12 : memref<128xi32, #tpu.memory_space<vmem>>) semaphore(%arg12 : memref<!tpu.dma_semaphore, #tpu.memory_space<semaphore_mem>>)
    %dma_start3A_16 = arith.constant 128 : i32
    %dma_start3A_17 = tpu.memref_slice %arg6[%dma_start3A_16] : memref<10000xi32, #tpu.memory_space<vmem>> -> memref<128xi32, #tpu.memory_space<vmem>>
    %dma_start3A_18 = arith.constant 0 : i32
    %dma_start3A_19 = arith.constant 0 : i32
    %dma_start3A_20 = tpu.memref_slice %arg2[%dma_start3A_18, %dma_start3A_19] : memref<10000x16xf32, #tpu.memory_space<hbm>> -> memref<10000x16xf32, #tpu.memory_space<hbm>>
    tpu.enqueue_indirect_dma source(%dma_start3A_20 : memref<10000x16xf32, #tpu.memory_space<hbm>>) target(%arg9 : memref<128x16xf32, #tpu.memory_space<vmem>>) offsets(%dma_start3A_17 : memref<128xi32, #tpu.memory_space<vmem>>) semaphore(%arg13 : memref<!tpu.dma_semaphore, #tpu.memory_space<semaphore_mem>>)
    %dma_start3A_21 = arith.constant 9984 : i32
    %dma_start3A_22 = tpu.memref_slice %arg6[%dma_start3A_21] : memref<10000xi32, #tpu.memory_space<vmem>> -> memref<16xi32, #tpu.memory_space<vmem>>
    %dma_start3A_23 = arith.constant 0 : i32
    %dma_start3A_24 = arith.constant 0 : i32
    %dma_start3A_25 = tpu.memref_slice %arg2[%dma_start3A_23, %dma_start3A_24] : memref<10000x16xf32, #tpu.memory_space<hbm>> -> memref<10000x16xf32, #tpu.memory_space<hbm>>
    tpu.enqueue_indirect_dma source(%dma_start3A_25 : memref<10000x16xf32, #tpu.memory_space<hbm>>) target(%arg10 : memref<16x16xf32, #tpu.memory_space<vmem>>) offsets(%dma_start3A_22 : memref<16xi32, #tpu.memory_space<vmem>>) semaphore(%arg14 : memref<!tpu.dma_semaphore, #tpu.memory_space<semaphore_mem>>)
    %scan3A = arith.constant 0 : i32
    %scan3A_26 = arith.constant 0 : i32
    %scan3A_27 = arith.constant 39 : i32
    %scan3A_28 = arith.addi %scan3A_26, %scan3A_27 : i32
    %scan3A_29 = arith.constant 1 : i32
    scf.for %scan3A_47 = %scan3A_26 to %scan3A_28 step %scan3A_29  : i32 {
      %mul3A_48 = arith.constant 2 : i32
      %mul3A_49 = arith.muli %mul3A_48, %scan3A_47 : i32
      %mul3A_50 = arith.constant 128 : i32
      %mul3A_51 = arith.muli %mul3A_49, %mul3A_50 : i32
      %dma_wait3A_52 = tpu.memref_slice %arg6[%mul3A_51] : memref<10000xi32, #tpu.memory_space<vmem>> -> memref<128xi32, #tpu.memory_space<vmem>>
      %dma_wait3A_53 = arith.constant 0 : i32
      %dma_wait3A_54 = arith.constant 0 : i32
      %dma_wait3A_55 = tpu.memref_slice %arg2[%dma_wait3A_53, %dma_wait3A_54] : memref<10000x16xf32, #tpu.memory_space<hbm>> -> memref<10000x16xf32, #tpu.memory_space<hbm>>
      tpu.wait_indirect_dma semaphore(%arg12 : memref<!tpu.dma_semaphore, #tpu.memory_space<semaphore_mem>>) src(%dma_wait3A_55 : memref<10000x16xf32, #tpu.memory_space<hbm>>) dst(%arg8 : memref<128x16xf32, #tpu.memory_space<vmem>>)
      %mul3A_56 = arith.constant 128 : i32
      %mul3A_57 = arith.muli %mul3A_49, %mul3A_56 : i32
      "tpu.region"() ({
        %run_scoped3A_83 = tpu.sem_alloc : memref<!tpu.dma_semaphore, #tpu.memory_space<semaphore_mem>>
        %dma_start3A_84 = tpu.memref_slice %arg7[%mul3A_57] : memref<10000xi32, #tpu.memory_space<vmem>> -> memref<128xi32, #tpu.memory_space<vmem>>
        %dma_start3A_85 = arith.constant 0 : i32
        %dma_start3A_86 = arith.constant 0 : i32
        %dma_start3A_87 = tpu.memref_slice %arg11[%dma_start3A_85, %dma_start3A_86] : memref<10000x16xf32, #tpu.memory_space<vmem_shared>> -> memref<10000x16xf32, #tpu.memory_space<vmem_shared>>
        tpu.enqueue_indirect_dma source(%arg8 : memref<128x16xf32, #tpu.memory_space<vmem>>) target(%dma_start3A_87 : memref<10000x16xf32, #tpu.memory_space<vmem_shared>>) offsets(%dma_start3A_84 : memref<128xi32, #tpu.memory_space<vmem>>) semaphore(%run_scoped3A_83 : memref<!tpu.dma_semaphore, #tpu.memory_space<semaphore_mem>>) {add = true}
        %dma_wait3A_88 = tpu.memref_slice %arg7[%mul3A_57] : memref<10000xi32, #tpu.memory_space<vmem>> -> memref<128xi32, #tpu.memory_space<vmem>>
        %dma_wait3A_89 = arith.constant 0 : i32
        %dma_wait3A_90 = arith.constant 0 : i32
        %dma_wait3A_91 = tpu.memref_slice %arg11[%dma_wait3A_89, %dma_wait3A_90] : memref<10000x16xf32, #tpu.memory_space<vmem_shared>> -> memref<10000x16xf32, #tpu.memory_space<vmem_shared>>
        tpu.wait_indirect_dma semaphore(%run_scoped3A_83 : memref<!tpu.dma_semaphore, #tpu.memory_space<semaphore_mem>>) src(%arg8 : memref<128x16xf32, #tpu.memory_space<vmem>>) dst(%dma_wait3A_91 : memref<10000x16xf32, #tpu.memory_space<vmem_shared>>)
        tpu.yield
      }) : () -> ()
      %add3A_58 = arith.constant 2 : i32
      %add3A_59 = arith.addi %mul3A_49, %add3A_58 : i32
      %lt3A = arith.constant 78 : i32
      %lt3A_60 = arith.cmpi slt, %add3A_59, %lt3A : i32
      %convert_element_type3A_61 = arith.extui %lt3A_60 : i1 to i32
      %cond3A_62 = arith.constant 0 : i32
      %cond3A_63 = arith.cmpi ne, %convert_element_type3A_61, %cond3A_62 : i32
      scf.if %cond3A_63 {
        %add3A_83 = arith.constant 2 : i32
        %add3A_84 = arith.addi %mul3A_49, %add3A_83 : i32
        %mul3A_85 = arith.constant 128 : i32
        %mul3A_86 = arith.muli %add3A_84, %mul3A_85 : i32
        %dma_start3A_87 = tpu.memref_slice %arg6[%mul3A_86] : memref<10000xi32, #tpu.memory_space<vmem>> -> memref<128xi32, #tpu.memory_space<vmem>>
        %dma_start3A_88 = arith.constant 0 : i32
        %dma_start3A_89 = arith.constant 0 : i32
        %dma_start3A_90 = tpu.memref_slice %arg2[%dma_start3A_88, %dma_start3A_89] : memref<10000x16xf32, #tpu.memory_space<hbm>> -> memref<10000x16xf32, #tpu.memory_space<hbm>>
        tpu.enqueue_indirect_dma source(%dma_start3A_90 : memref<10000x16xf32, #tpu.memory_space<hbm>>) target(%arg8 : memref<128x16xf32, #tpu.memory_space<vmem>>) offsets(%dma_start3A_87 : memref<128xi32, #tpu.memory_space<vmem>>) semaphore(%arg12 : memref<!tpu.dma_semaphore, #tpu.memory_space<semaphore_mem>>)
      } else {
      }
      %add3A_64 = arith.constant 1 : i32
      %add3A_65 = arith.addi %mul3A_49, %add3A_64 : i32
      %mul3A_66 = arith.constant 128 : i32
      %mul3A_67 = arith.muli %add3A_65, %mul3A_66 : i32
      %dma_wait3A_68 = tpu.memref_slice %arg6[%mul3A_67] : memref<10000xi32, #tpu.memory_space<vmem>> -> memref<128xi32, #tpu.memory_space<vmem>>
      %dma_wait3A_69 = arith.constant 0 : i32
      %dma_wait3A_70 = arith.constant 0 : i32
      %dma_wait3A_71 = tpu.memref_slice %arg2[%dma_wait3A_69, %dma_wait3A_70] : memref<10000x16xf32, #tpu.memory_space<hbm>> -> memref<10000x16xf32, #tpu.memory_space<hbm>>
      tpu.wait_indirect_dma semaphore(%arg13 : memref<!tpu.dma_semaphore, #tpu.memory_space<semaphore_mem>>) src(%dma_wait3A_71 : memref<10000x16xf32, #tpu.memory_space<hbm>>) dst(%arg9 : memref<128x16xf32, #tpu.memory_space<vmem>>)
      %add3A_72 = arith.constant 1 : i32
      %add3A_73 = arith.addi %mul3A_49, %add3A_72 : i32
      %mul3A_74 = arith.constant 128 : i32
      %mul3A_75 = arith.muli %add3A_73, %mul3A_74 : i32
      "tpu.region"() ({
        %run_scoped3A_83 = tpu.sem_alloc : memref<!tpu.dma_semaphore, #tpu.memory_space<semaphore_mem>>
        %dma_start3A_84 = tpu.memref_slice %arg7[%mul3A_75] : memref<10000xi32, #tpu.memory_space<vmem>> -> memref<128xi32, #tpu.memory_space<vmem>>
        %dma_start3A_85 = arith.constant 0 : i32
        %dma_start3A_86 = arith.constant 0 : i32
        %dma_start3A_87 = tpu.memref_slice %arg11[%dma_start3A_85, %dma_start3A_86] : memref<10000x16xf32, #tpu.memory_space<vmem_shared>> -> memref<10000x16xf32, #tpu.memory_space<vmem_shared>>
        tpu.enqueue_indirect_dma source(%arg9 : memref<128x16xf32, #tpu.memory_space<vmem>>) target(%dma_start3A_87 : memref<10000x16xf32, #tpu.memory_space<vmem_shared>>) offsets(%dma_start3A_84 : memref<128xi32, #tpu.memory_space<vmem>>) semaphore(%run_scoped3A_83 : memref<!tpu.dma_semaphore, #tpu.memory_space<semaphore_mem>>) {add = true}
        %dma_wait3A_88 = tpu.memref_slice %arg7[%mul3A_75] : memref<10000xi32, #tpu.memory_space<vmem>> -> memref<128xi32, #tpu.memory_space<vmem>>
        %dma_wait3A_89 = arith.constant 0 : i32
        %dma_wait3A_90 = arith.constant 0 : i32
        %dma_wait3A_91 = tpu.memref_slice %arg11[%dma_wait3A_89, %dma_wait3A_90] : memref<10000x16xf32, #tpu.memory_space<vmem_shared>> -> memref<10000x16xf32, #tpu.memory_space<vmem_shared>>
        tpu.wait_indirect_dma semaphore(%run_scoped3A_83 : memref<!tpu.dma_semaphore, #tpu.memory_space<semaphore_mem>>) src(%arg9 : memref<128x16xf32, #tpu.memory_space<vmem>>) dst(%dma_wait3A_91 : memref<10000x16xf32, #tpu.memory_space<vmem_shared>>)
        tpu.yield
      }) : () -> ()
      %add3A_76 = arith.constant 3 : i32
      %add3A_77 = arith.addi %mul3A_49, %add3A_76 : i32
      %lt3A_78 = arith.constant 78 : i32
      %lt3A_79 = arith.cmpi slt, %add3A_77, %lt3A_78 : i32
      %convert_element_type3A_80 = arith.extui %lt3A_79 : i1 to i32
      %cond3A_81 = arith.constant 0 : i32
      %cond3A_82 = arith.cmpi ne, %convert_element_type3A_80, %cond3A_81 : i32
      scf.if %cond3A_82 {
        %add3A_83 = arith.constant 3 : i32
        %add3A_84 = arith.addi %mul3A_49, %add3A_83 : i32
        %mul3A_85 = arith.constant 128 : i32
        %mul3A_86 = arith.muli %add3A_84, %mul3A_85 : i32
        %dma_start3A_87 = tpu.memref_slice %arg6[%mul3A_86] : memref<10000xi32, #tpu.memory_space<vmem>> -> memref<128xi32, #tpu.memory_space<vmem>>
        %dma_start3A_88 = arith.constant 0 : i32
        %dma_start3A_89 = arith.constant 0 : i32
        %dma_start3A_90 = tpu.memref_slice %arg2[%dma_start3A_88, %dma_start3A_89] : memref<10000x16xf32, #tpu.memory_space<hbm>> -> memref<10000x16xf32, #tpu.memory_space<hbm>>
        tpu.enqueue_indirect_dma source(%dma_start3A_90 : memref<10000x16xf32, #tpu.memory_space<hbm>>) target(%arg9 : memref<128x16xf32, #tpu.memory_space<vmem>>) offsets(%dma_start3A_87 : memref<128xi32, #tpu.memory_space<vmem>>) semaphore(%arg13 : memref<!tpu.dma_semaphore, #tpu.memory_space<semaphore_mem>>)
      } else {
      }
    }
    %scan3A_30 = arith.constant 39 : i32
    %dma_wait3A = arith.constant 9984 : i32
    %dma_wait3A_31 = tpu.memref_slice %arg6[%dma_wait3A] : memref<10000xi32, #tpu.memory_space<vmem>> -> memref<16xi32, #tpu.memory_space<vmem>>
    %dma_wait3A_32 = arith.constant 0 : i32
    %dma_wait3A_33 = arith.constant 0 : i32
    %dma_wait3A_34 = tpu.memref_slice %arg2[%dma_wait3A_32, %dma_wait3A_33] : memref<10000x16xf32, #tpu.memory_space<hbm>> -> memref<10000x16xf32, #tpu.memory_space<hbm>>
    tpu.wait_indirect_dma semaphore(%arg14 : memref<!tpu.dma_semaphore, #tpu.memory_space<semaphore_mem>>) src(%dma_wait3A_34 : memref<10000x16xf32, #tpu.memory_space<hbm>>) dst(%arg10 : memref<16x16xf32, #tpu.memory_space<vmem>>)
    "tpu.region"() ({
      %run_scoped3A_47 = tpu.sem_alloc : memref<!tpu.dma_semaphore, #tpu.memory_space<semaphore_mem>>
      %dma_start3A_48 = arith.constant 9984 : i32
      %dma_start3A_49 = tpu.memref_slice %arg7[%dma_start3A_48] : memref<10000xi32, #tpu.memory_space<vmem>> -> memref<16xi32, #tpu.memory_space<vmem>>
      %dma_start3A_50 = arith.constant 0 : i32
      %dma_start3A_51 = arith.constant 0 : i32
      %dma_start3A_52 = tpu.memref_slice %arg11[%dma_start3A_50, %dma_start3A_51] : memref<10000x16xf32, #tpu.memory_space<vmem_shared>> -> memref<10000x16xf32, #tpu.memory_space<vmem_shared>>
      tpu.enqueue_indirect_dma source(%arg10 : memref<16x16xf32, #tpu.memory_space<vmem>>) target(%dma_start3A_52 : memref<10000x16xf32, #tpu.memory_space<vmem_shared>>) offsets(%dma_start3A_49 : memref<16xi32, #tpu.memory_space<vmem>>) semaphore(%run_scoped3A_47 : memref<!tpu.dma_semaphore, #tpu.memory_space<semaphore_mem>>) {add = true}
      %dma_wait3A_53 = arith.constant 9984 : i32
      %dma_wait3A_54 = tpu.memref_slice %arg7[%dma_wait3A_53] : memref<10000xi32, #tpu.memory_space<vmem>> -> memref<16xi32, #tpu.memory_space<vmem>>
      %dma_wait3A_55 = arith.constant 0 : i32
      %dma_wait3A_56 = arith.constant 0 : i32
      %dma_wait3A_57 = tpu.memref_slice %arg11[%dma_wait3A_55, %dma_wait3A_56] : memref<10000x16xf32, #tpu.memory_space<vmem_shared>> -> memref<10000x16xf32, #tpu.memory_space<vmem_shared>>
      tpu.wait_indirect_dma semaphore(%run_scoped3A_47 : memref<!tpu.dma_semaphore, #tpu.memory_space<semaphore_mem>>) src(%arg10 : memref<16x16xf32, #tpu.memory_space<vmem>>) dst(%dma_wait3A_57 : memref<10000x16xf32, #tpu.memory_space<vmem_shared>>)
      tpu.yield
    }) : () -> ()
    %barrier3A_35 = arith.constant 0 : index
    tpu.barrier barrier_id(%barrier3A_35)
    %mul3A_36 = arith.constant 624 : i32
    %mul3A_37 = arith.muli %arg1, %mul3A_36 : i32
    %mul3A_38 = arith.constant 624 : i32
    %mul3A_39 = arith.muli %arg1, %mul3A_38 : i32
    %mul3A_40 = arith.constant 16 : i32
    %mul3A_41 = arith.muli %arg0, %mul3A_40 : i32
    "tpu.region"() ({
      %run_scoped3A_47 = tpu.sem_alloc : memref<!tpu.dma_semaphore, #tpu.memory_space<semaphore_mem>>
      %dma_start3A_48 = tpu.memref_slice %arg5[%mul3A_39, %mul3A_41] : memref<10000x32xf32, #tpu.memory_space<hbm>> -> memref<624x16xf32, #tpu.memory_space<hbm>>
      %dma_start3A_49 = arith.constant 0 : i32
      %dma_start3A_50 = tpu.memref_slice %arg11[%mul3A_37, %dma_start3A_49] : memref<10000x16xf32, #tpu.memory_space<vmem_shared>> -> memref<624x16xf32, #tpu.memory_space<vmem_shared>>
      tpu.enqueue_dma source(%dma_start3A_50 : memref<624x16xf32, #tpu.memory_space<vmem_shared>>) target(%dma_start3A_48 : memref<624x16xf32, #tpu.memory_space<hbm>>) target_semaphore(%run_scoped3A_47 : memref<!tpu.dma_semaphore, #tpu.memory_space<semaphore_mem>>)
      %dma_wait3A_51 = tpu.memref_slice %arg5[%mul3A_39, %mul3A_41] : memref<10000x32xf32, #tpu.memory_space<hbm>> -> memref<624x16xf32, #tpu.memory_space<hbm>>
      %dma_wait3A_52 = arith.constant 0 : i32
      %dma_wait3A_53 = tpu.memref_slice %arg11[%mul3A_37, %dma_wait3A_52] : memref<10000x16xf32, #tpu.memory_space<vmem_shared>> -> memref<624x16xf32, #tpu.memory_space<vmem_shared>>
      tpu.wait_dma2 semaphore(%run_scoped3A_47 : memref<!tpu.dma_semaphore, #tpu.memory_space<semaphore_mem>>) src(%dma_wait3A_53 : memref<624x16xf32, #tpu.memory_space<vmem_shared>>) dst(%dma_wait3A_51 : memref<624x16xf32, #tpu.memory_space<hbm>>)
      tpu.yield
    }) : () -> ()
    %eq3A_42 = arith.constant 0 : i32
    %eq3A_43 = arith.cmpi eq, %arg1, %eq3A_42 : i32
    %convert_element_type3A_44 = arith.extui %eq3A_43 : i1 to i32
    %cond3A_45 = arith.constant 0 : i32
    %cond3A_46 = arith.cmpi ne, %convert_element_type3A_44, %cond3A_45 : i32
    scf.if %cond3A_46 {
      %mul3A_47 = arith.constant 16 : i32
      %mul3A_48 = arith.muli %arg0, %mul3A_47 : i32
      "tpu.region"() ({
        %run_scoped3A_49 = tpu.sem_alloc : memref<!tpu.dma_semaphore, #tpu.memory_space<semaphore_mem>>
        %dma_start3A_50 = arith.constant 9984 : i32
        %dma_start3A_51 = tpu.memref_slice %arg5[%dma_start3A_50, %mul3A_48] : memref<10000x32xf32, #tpu.memory_space<hbm>> -> memref<16x16xf32, #tpu.memory_space<hbm>>
        %dma_start3A_52 = arith.constant 9984 : i32
        %dma_start3A_53 = arith.constant 0 : i32
        %dma_start3A_54 = tpu.memref_slice %arg11[%dma_start3A_52, %dma_start3A_53] : memref<10000x16xf32, #tpu.memory_space<vmem_shared>> -> memref<16x16xf32, #tpu.memory_space<vmem_shared>>
        tpu.enqueue_dma source(%dma_start3A_54 : memref<16x16xf32, #tpu.memory_space<vmem_shared>>) target(%dma_start3A_51 : memref<16x16xf32, #tpu.memory_space<hbm>>) target_semaphore(%run_scoped3A_49 : memref<!tpu.dma_semaphore, #tpu.memory_space<semaphore_mem>>)
        %dma_wait3A_55 = arith.constant 9984 : i32
        %dma_wait3A_56 = tpu.memref_slice %arg5[%dma_wait3A_55, %mul3A_48] : memref<10000x32xf32, #tpu.memory_space<hbm>> -> memref<16x16xf32, #tpu.memory_space<hbm>>
        %dma_wait3A_57 = arith.constant 9984 : i32
        %dma_wait3A_58 = arith.constant 0 : i32
        %dma_wait3A_59 = tpu.memref_slice %arg11[%dma_wait3A_57, %dma_wait3A_58] : memref<10000x16xf32, #tpu.memory_space<vmem_shared>> -> memref<16x16xf32, #tpu.memory_space<vmem_shared>>
        tpu.wait_dma2 semaphore(%run_scoped3A_49 : memref<!tpu.dma_semaphore, #tpu.memory_space<semaphore_mem>>) src(%dma_wait3A_59 : memref<16x16xf32, #tpu.memory_space<vmem_shared>>) dst(%dma_wait3A_56 : memref<16x16xf32, #tpu.memory_space<hbm>>)
        tpu.yield
      }) : () -> ()
    } else {
    }
    return
  }
}

module attributes {stable_mosaic.version = 14 : i64} {
  func.func @body(%arg0: i32, %arg1: memref<2000x128xf32, #tpu.memory_space<vmem>>, %arg2: memref<128x64xf32, #tpu.memory_space<vmem>>, %arg3: memref<2000x1xf32, #tpu.memory_space<vmem>>, %arg4: memref<2000x1xf32, #tpu.memory_space<vmem>>, %arg5: memref<2000x64xf32, #tpu.memory_space<vmem>>, %arg6: memref<2000x128xf32, #tpu.memory_space<vmem>>) attributes {dimension_semantics = [#tpu.dimension_semantics<arbitrary>], iteration_bounds = array<i64: 5>, scalar_prefetch = 0 : i64, scratch_operands = 0 : i64, tpu.core_type = #tpu.core_type<tc>, window_params = [{transform_indices = @transform_0, window_bounds = array<i64: 2000, 128>}, {pipeline_mode = #tpu.pipeline_mode<synchronous>, transform_indices = @transform_1, window_bounds = array<i64: 128, 64>}, {transform_indices = @transform_2, window_bounds = array<i64: 2000, 1>}, {transform_indices = @transform_3, window_bounds = array<i64: 2000, 1>}, {transform_indices = @transform_4, window_bounds = array<i64: 2000, 64>}, {transform_indices = @transform_5, window_bounds = array<i64: 2000, 128>}]} {
    %get3A = arith.constant 0 : index
    %get3A_0 = arith.constant 0 : index
    %get3A_1 = vector.load %arg3[%get3A, %get3A_0] : memref<2000x1xf32, #tpu.memory_space<vmem>>, vector<2000x1xf32>
    %add3A = arith.constant 1.000000e+00 : f32
    %add3A_2 = vector.broadcast %add3A : f32 to vector<2000x1xf32>
    %add3A_3 = arith.addf %add3A_2, %get3A_1 : vector<2000x1xf32>
    %get3A_4 = arith.constant 0 : index
    %get3A_5 = arith.constant 0 : index
    %get3A_6 = vector.load %arg4[%get3A_4, %get3A_5] : memref<2000x1xf32, #tpu.memory_space<vmem>>, vector<2000x1xf32>
    %add3A_7 = arith.addf %add3A_3, %get3A_6 : vector<2000x1xf32>
    %rsqrt3A = math.rsqrt %add3A_7 : vector<2000x1xf32>
    %div3A = arith.constant 1.000000e+00 : f32
    %div3A_8 = vector.broadcast %div3A : f32 to vector<2000x1xf32>
    %div3A_9 = arith.divf %div3A_8, %add3A_7 : vector<2000x1xf32>
    %get3A_10 = arith.constant 0 : index
    %get3A_11 = arith.constant 0 : index
    %get3A_12 = vector.load %arg1[%get3A_10, %get3A_11] : memref<2000x128xf32, #tpu.memory_space<vmem>>, vector<2000x128xf32>
    %get3A_13 = arith.constant 0 : index
    %get3A_14 = arith.constant 0 : index
    %get3A_15 = vector.load %arg2[%get3A_13, %get3A_14] : memref<128x64xf32, #tpu.memory_space<vmem>>, vector<128x64xf32>
    %dot_general3A = arith.constant dense<0.000000e+00> : vector<2000x64xf32>
    %dot_general3A_16 = tpu.matmul %get3A_12, %get3A_15, %dot_general3A {dimension_numbers = #tpu.dot_dimension_numbers<[1], [0], [0], [1], [0, 0, 1, 1], [], []>, transpose_lhs_hint = false} : vector<2000x128xf32>, vector<128x64xf32>, vector<2000x64xf32> -> vector<2000x64xf32>
    %mul3A = vector.broadcast %rsqrt3A : vector<2000x1xf32> to vector<2000x64xf32>
    %mul3A_17 = arith.mulf %dot_general3A_16, %mul3A : vector<2000x64xf32>
    %swap3A = arith.constant 0 : index
    %swap3A_18 = arith.constant 0 : index
    %swap3A_19 = vector.load %arg5[%swap3A, %swap3A_18] : memref<2000x64xf32, #tpu.memory_space<vmem>>, vector<2000x64xf32>
    tpu.vector_store %arg5[%swap3A, %swap3A_18], %mul3A_17 {strides = array<i32>} : memref<2000x64xf32, #tpu.memory_space<vmem>>, vector<2000x64xf32>,
    %mul3A_20 = vector.broadcast %div3A_9 : vector<2000x1xf32> to vector<2000x64xf32>
    %mul3A_21 = arith.mulf %dot_general3A_16, %mul3A_20 : vector<2000x64xf32>
    %swap3A_22 = arith.constant 0 : index
    %swap3A_23 = arith.constant 0 : index
    %swap3A_24 = vector.load %arg6[%swap3A_22, %swap3A_23] : memref<2000x128xf32, #tpu.memory_space<vmem>>, vector<2000x64xf32>
    tpu.vector_store %arg6[%swap3A_22, %swap3A_23], %mul3A_21 {strides = array<i32>} : memref<2000x128xf32, #tpu.memory_space<vmem>>, vector<2000x64xf32>,
    %swap3A_25 = arith.constant 0 : index
    %swap3A_26 = arith.constant 64 : index
    %swap3A_27 = vector.load %arg6[%swap3A_25, %swap3A_26] : memref<2000x128xf32, #tpu.memory_space<vmem>>, vector<2000x1xf32>
    tpu.vector_store %arg6[%swap3A_25, %swap3A_26], %rsqrt3A {strides = array<i32>} : memref<2000x128xf32, #tpu.memory_space<vmem>>, vector<2000x1xf32>,
    %swap3A_28 = arith.constant 0 : index
    %swap3A_29 = arith.constant 65 : index
    %swap3A_30 = vector.load %arg6[%swap3A_28, %swap3A_29] : memref<2000x128xf32, #tpu.memory_space<vmem>>, vector<2000x1xf32>
    tpu.vector_store %arg6[%swap3A_28, %swap3A_29], %div3A_9 {strides = array<i32>} : memref<2000x128xf32, #tpu.memory_space<vmem>>, vector<2000x1xf32>,
    return
  }
  func.func @transform_0(%arg0: i32) -> (i32, i32) {
    %c0_i32 = arith.constant 0 : i32
    %c0_i32_0 = arith.constant 0 : i32
    return %arg0, %c0_i32 : i32, i32
  }
  func.func @transform_1(%arg0: i32) -> (i32, i32) {
    %c0_i32 = arith.constant 0 : i32
    %c0_i32_0 = arith.constant 0 : i32
    %c0_i32_1 = arith.constant 0 : i32
    return %c0_i32, %c0_i32_0 : i32, i32
  }
  func.func @transform_2(%arg0: i32) -> (i32, i32) {
    %c0_i32 = arith.constant 0 : i32
    %c0_i32_0 = arith.constant 0 : i32
    return %arg0, %c0_i32 : i32, i32
  }
  func.func @transform_3(%arg0: i32) -> (i32, i32) {
    %c0_i32 = arith.constant 0 : i32
    %c0_i32_0 = arith.constant 0 : i32
    return %arg0, %c0_i32 : i32, i32
  }
  func.func @transform_4(%arg0: i32) -> (i32, i32) {
    %c0_i32 = arith.constant 0 : i32
    %c0_i32_0 = arith.constant 0 : i32
    return %arg0, %c0_i32 : i32, i32
  }
  func.func @transform_5(%arg0: i32) -> (i32, i32) {
    %c0_i32 = arith.constant 0 : i32
    %c0_i32_0 = arith.constant 0 : i32
    return %arg0, %c0_i32 : i32, i32
  }
}

module attributes {stable_mosaic.version = 14 : i64} {
  func.func @body(%arg0: i32, %arg1: memref<2000x128xf32, #tpu.memory_space<vmem>>, %arg2: memref<2000x128xf32, #tpu.memory_space<vmem>>, %arg3: memref<1x64xf32, #tpu.memory_space<vmem>>, %arg4: memref<64x16xf32, #tpu.memory_space<vmem>>, %arg5: memref<2000x16xf32, #tpu.memory_space<vmem>>, %arg6: memref<2000x128xf32, #tpu.memory_space<vmem>>) attributes {dimension_semantics = [#tpu.dimension_semantics<arbitrary>], iteration_bounds = array<i64: 5>, scalar_prefetch = 0 : i64, scratch_operands = 0 : i64, tpu.core_type = #tpu.core_type<tc>, window_params = [{transform_indices = @transform_0, window_bounds = array<i64: 2000, 128>}, {transform_indices = @transform_1, window_bounds = array<i64: 2000, 128>}, {pipeline_mode = #tpu.pipeline_mode<synchronous>, transform_indices = @transform_2, window_bounds = array<i64: 1, 64>}, {pipeline_mode = #tpu.pipeline_mode<synchronous>, transform_indices = @transform_3, window_bounds = array<i64: 64, 16>}, {transform_indices = @transform_4, window_bounds = array<i64: 2000, 16>}, {transform_indices = @transform_5, window_bounds = array<i64: 2000, 128>}]} {
    %get3A = arith.constant 0 : index
    %get3A_0 = arith.constant 0 : index
    %get3A_1 = vector.load %arg1[%get3A, %get3A_0] : memref<2000x128xf32, #tpu.memory_space<vmem>>, vector<2000x64xf32>
    %get3A_2 = arith.constant 0 : index
    %get3A_3 = arith.constant 64 : index
    %get3A_4 = vector.load %arg1[%get3A_2, %get3A_3] : memref<2000x128xf32, #tpu.memory_space<vmem>>, vector<2000x64xf32>
    %add3A = arith.addf %get3A_1, %get3A_4 : vector<2000x64xf32>
    %get3A_5 = arith.constant 0 : index
    %get3A_6 = arith.constant 64 : index
    %get3A_7 = vector.load %arg2[%get3A_5, %get3A_6] : memref<2000x128xf32, #tpu.memory_space<vmem>>, vector<2000x1xf32>
    %get3A_8 = arith.constant 0 : index
    %get3A_9 = arith.constant 65 : index
    %get3A_10 = vector.load %arg2[%get3A_8, %get3A_9] : memref<2000x128xf32, #tpu.memory_space<vmem>>, vector<2000x1xf32>
    %mul3A = vector.broadcast %get3A_7 : vector<2000x1xf32> to vector<2000x64xf32>
    %mul3A_11 = arith.mulf %mul3A, %add3A : vector<2000x64xf32>
    %get3A_12 = arith.constant 0 : index
    %get3A_13 = arith.constant 0 : index
    %get3A_14 = vector.load %arg2[%get3A_12, %get3A_13] : memref<2000x128xf32, #tpu.memory_space<vmem>>, vector<2000x64xf32>
    %add3A_15 = arith.addf %mul3A_11, %get3A_14 : vector<2000x64xf32>
    %get3A_16 = arith.constant 0 : index
    %get3A_17 = arith.constant 0 : index
    %get3A_18 = vector.load %arg3[%get3A_16, %get3A_17] : memref<1x64xf32, #tpu.memory_space<vmem>>, vector<1x64xf32>
    %add3A_19 = vector.broadcast %get3A_18 : vector<1x64xf32> to vector<2000x64xf32>
    %add3A_20 = arith.addf %add3A_15, %add3A_19 : vector<2000x64xf32>
    %max3A = arith.constant 0.000000e+00 : f32
    %max3A_21 = vector.broadcast %max3A : f32 to vector<2000x64xf32>
    %max3A_22 = arith.maximumf %add3A_20, %max3A_21 : vector<2000x64xf32>
    %get3A_23 = arith.constant 0 : index
    %get3A_24 = arith.constant 0 : index
    %get3A_25 = vector.load %arg4[%get3A_23, %get3A_24] : memref<64x16xf32, #tpu.memory_space<vmem>>, vector<64x16xf32>
    %dot_general3A = arith.constant dense<0.000000e+00> : vector<2000x16xf32>
    %dot_general3A_26 = tpu.matmul %max3A_22, %get3A_25, %dot_general3A {dimension_numbers = #tpu.dot_dimension_numbers<[1], [0], [0], [1], [0, 0, 1, 1], [], []>, transpose_lhs_hint = false} : vector<2000x64xf32>, vector<64x16xf32>, vector<2000x16xf32> -> vector<2000x16xf32>
    %mul3A_27 = vector.broadcast %get3A_7 : vector<2000x1xf32> to vector<2000x16xf32>
    %mul3A_28 = arith.mulf %dot_general3A_26, %mul3A_27 : vector<2000x16xf32>
    %swap3A = arith.constant 0 : index
    %swap3A_29 = arith.constant 0 : index
    %swap3A_30 = vector.load %arg5[%swap3A, %swap3A_29] : memref<2000x16xf32, #tpu.memory_space<vmem>>, vector<2000x16xf32>
    tpu.vector_store %arg5[%swap3A, %swap3A_29], %mul3A_28 {strides = array<i32>} : memref<2000x16xf32, #tpu.memory_space<vmem>>, vector<2000x16xf32>,
    %mul3A_31 = vector.broadcast %get3A_10 : vector<2000x1xf32> to vector<2000x16xf32>
    %mul3A_32 = arith.mulf %dot_general3A_26, %mul3A_31 : vector<2000x16xf32>
    %swap3A_33 = arith.constant 0 : index
    %swap3A_34 = arith.constant 0 : index
    %swap3A_35 = vector.load %arg6[%swap3A_33, %swap3A_34] : memref<2000x128xf32, #tpu.memory_space<vmem>>, vector<2000x16xf32>
    tpu.vector_store %arg6[%swap3A_33, %swap3A_34], %mul3A_32 {strides = array<i32>} : memref<2000x128xf32, #tpu.memory_space<vmem>>, vector<2000x16xf32>,
    %swap3A_36 = arith.constant 0 : index
    %swap3A_37 = arith.constant 16 : index
    %swap3A_38 = vector.load %arg6[%swap3A_36, %swap3A_37] : memref<2000x128xf32, #tpu.memory_space<vmem>>, vector<2000x1xf32>
    tpu.vector_store %arg6[%swap3A_36, %swap3A_37], %get3A_7 {strides = array<i32>} : memref<2000x128xf32, #tpu.memory_space<vmem>>, vector<2000x1xf32>,
    return
  }
  func.func @transform_0(%arg0: i32) -> (i32, i32) {
    %c0_i32 = arith.constant 0 : i32
    %c0_i32_0 = arith.constant 0 : i32
    return %arg0, %c0_i32 : i32, i32
  }
  func.func @transform_1(%arg0: i32) -> (i32, i32) {
    %c0_i32 = arith.constant 0 : i32
    %c0_i32_0 = arith.constant 0 : i32
    return %arg0, %c0_i32 : i32, i32
  }
  func.func @transform_2(%arg0: i32) -> (i32, i32) {
    %c0_i32 = arith.constant 0 : i32
    %c0_i32_0 = arith.constant 0 : i32
    %c0_i32_1 = arith.constant 0 : i32
    return %c0_i32, %c0_i32_0 : i32, i32
  }
  func.func @transform_3(%arg0: i32) -> (i32, i32) {
    %c0_i32 = arith.constant 0 : i32
    %c0_i32_0 = arith.constant 0 : i32
    %c0_i32_1 = arith.constant 0 : i32
    return %c0_i32, %c0_i32_0 : i32, i32
  }
  func.func @transform_4(%arg0: i32) -> (i32, i32) {
    %c0_i32 = arith.constant 0 : i32
    %c0_i32_0 = arith.constant 0 : i32
    return %arg0, %c0_i32 : i32, i32
  }
  func.func @transform_5(%arg0: i32) -> (i32, i32) {
    %c0_i32 = arith.constant 0 : i32
    %c0_i32_0 = arith.constant 0 : i32
    return %arg0, %c0_i32 : i32, i32
  }
}

module attributes {stable_mosaic.version = 14 : i64} {
  func.func @body(%arg0: i32, %arg1: memref<2000x32xf32, #tpu.memory_space<vmem>>, %arg2: memref<2000x128xf32, #tpu.memory_space<vmem>>, %arg3: memref<1x16xf32, #tpu.memory_space<vmem>>, %arg4: memref<2000x16xf32, #tpu.memory_space<vmem>>) attributes {dimension_semantics = [#tpu.dimension_semantics<arbitrary>], iteration_bounds = array<i64: 5>, scalar_prefetch = 0 : i64, scratch_operands = 0 : i64, tpu.core_type = #tpu.core_type<tc>, window_params = [{transform_indices = @transform_0, window_bounds = array<i64: 2000, 32>}, {transform_indices = @transform_1, window_bounds = array<i64: 2000, 128>}, {pipeline_mode = #tpu.pipeline_mode<synchronous>, transform_indices = @transform_2, window_bounds = array<i64: 1, 16>}, {transform_indices = @transform_3, window_bounds = array<i64: 2000, 16>}]} {
    %get3A = arith.constant 0 : index
    %get3A_0 = arith.constant 0 : index
    %get3A_1 = vector.load %arg1[%get3A, %get3A_0] : memref<2000x32xf32, #tpu.memory_space<vmem>>, vector<2000x16xf32>
    %get3A_2 = arith.constant 0 : index
    %get3A_3 = arith.constant 16 : index
    %get3A_4 = vector.load %arg1[%get3A_2, %get3A_3] : memref<2000x32xf32, #tpu.memory_space<vmem>>, vector<2000x16xf32>
    %add3A = arith.addf %get3A_1, %get3A_4 : vector<2000x16xf32>
    %get3A_5 = arith.constant 0 : index
    %get3A_6 = arith.constant 16 : index
    %get3A_7 = vector.load %arg2[%get3A_5, %get3A_6] : memref<2000x128xf32, #tpu.memory_space<vmem>>, vector<2000x1xf32>
    %mul3A = vector.broadcast %get3A_7 : vector<2000x1xf32> to vector<2000x16xf32>
    %mul3A_8 = arith.mulf %mul3A, %add3A : vector<2000x16xf32>
    %get3A_9 = arith.constant 0 : index
    %get3A_10 = arith.constant 0 : index
    %get3A_11 = vector.load %arg2[%get3A_9, %get3A_10] : memref<2000x128xf32, #tpu.memory_space<vmem>>, vector<2000x16xf32>
    %add3A_12 = arith.addf %mul3A_8, %get3A_11 : vector<2000x16xf32>
    %get3A_13 = arith.constant 0 : index
    %get3A_14 = arith.constant 0 : index
    %get3A_15 = vector.load %arg3[%get3A_13, %get3A_14] : memref<1x16xf32, #tpu.memory_space<vmem>>, vector<1x16xf32>
    %add3A_16 = vector.broadcast %get3A_15 : vector<1x16xf32> to vector<2000x16xf32>
    %add3A_17 = arith.addf %add3A_12, %add3A_16 : vector<2000x16xf32>
    %swap3A = arith.constant 0 : index
    %swap3A_18 = arith.constant 0 : index
    %swap3A_19 = vector.load %arg4[%swap3A, %swap3A_18] : memref<2000x16xf32, #tpu.memory_space<vmem>>, vector<2000x16xf32>
    tpu.vector_store %arg4[%swap3A, %swap3A_18], %add3A_17 {strides = array<i32>} : memref<2000x16xf32, #tpu.memory_space<vmem>>, vector<2000x16xf32>,
    return
  }
  func.func @transform_0(%arg0: i32) -> (i32, i32) {
    %c0_i32 = arith.constant 0 : i32
    %c0_i32_0 = arith.constant 0 : i32
    return %arg0, %c0_i32 : i32, i32
  }
  func.func @transform_1(%arg0: i32) -> (i32, i32) {
    %c0_i32 = arith.constant 0 : i32
    %c0_i32_0 = arith.constant 0 : i32
    return %arg0, %c0_i32 : i32, i32
  }
  func.func @transform_2(%arg0: i32) -> (i32, i32) {
    %c0_i32 = arith.constant 0 : i32
    %c0_i32_0 = arith.constant 0 : i32
    %c0_i32_1 = arith.constant 0 : i32
    return %c0_i32, %c0_i32_0 : i32, i32
  }
  func.func @transform_3(%arg0: i32) -> (i32, i32) {
    %c0_i32 = arith.constant 0 : i32
    %c0_i32_0 = arith.constant 0 : i32
    return %arg0, %c0_i32 : i32, i32
  }
}

</mosaic_0001>

<sc_bundles>
// kernel: kernel.11.cloned.1.call-start
scs
__scs_entry_jumppad:
0x0: {  	(pc) =	sbr.rel $0x88, $3  }
0x1: {  	(tag) =	ssettag $0x0;
	lr =	simm.s32 $0x1  }
0x2: {  	[smem:$0x3F9B] =	sst lr;
	_ =	strace $0xD0000000  }
0x3: {  	_ = 	snop  }
0x4: {  	_ = 	snop  }
0x5: {  	_ = 	snop  }
0x6: {  	_ = 	snop  }
0x7: {  	_ = 	snop  }
__scs_overlays_trampoline_lowered:
0x8: {  	[smem:$0x3FAA] =	sst s0  }
0x9: {  	[smem:$0x3FAB] =	sst s1  }
0xa: {  	[smem:$0x3FAC] =	sst s2  }
0xb: {  	[smem:$0x3FAD] =	sst s3  }
0xc: {  	[smem:$0x3FAE] =	sst s4  }
0xd: {  	[smem:$0x3FAF] =	sst s5  }
0xe: {  	[smem:$0x3FB0] =	sst s6  }
0xf: {  	[smem:$0x3FB1] =	sst s7  }
0x10: {  	[smem:$0x3FB2] =	sst s8  }
0x11: {  	[smem:$0x3FB3] =	sst s9;
	s0 =	simm.s32 @!p0 $0x0  }
0x12: {  	s1 =	sld [smem:$0x3F99];
	s0 =	simm.s32 @p0 $0x1  }
0x13: {  	[smem:$0x3FB4] =	sst s0;
	s0 =	simm.s32 @!p1 $0x0  }
0x14: {  	s2 =	sld [smem:$0x3F98];
	s0 =	simm.s32 @p1 $0x1  }
0x15: {  	[smem:$0x3FB5] =	sst s0;
	s0 =	simm.s32 @!p2 $0x0  }
0x16: {  	s3 =	sld [smem:$0x3FDB];
	s0 =	simm.s32 @p2 $0x1  }
0x17: {  	s4 =	simm.s32 $0x1BF5;
	[smem:$0x3FB7] =	sst s0  }
0x18: {  	s0 =	sld [smem:$0x3F9A];
	_ =	swait.ge [sflag:s4], $0x0  }
0x19: {  	s7 =	sld [smem:$0x3F9B]  }
0x1a: {  	s8 =	sadd.s32 $0xFFFFE003, lr  }
0x1b: {  	s9 =	sadd.s32 $0xFFFFFEF7, lr;
	s5 =	simm.s32 $0xFFFFFFFF;
	p2 =	slt.u32 s8, $0xFFFFF086  }
0x1c: {  	p1 =	slt.u32 s9, $0xF7A;
	s5 =	simm.s32 @!p2 $0x0  }
0x1d: {  	s5 =	simm.s32 @p1 $0x1;
	p0 =	seq.s32 s7, s2  }
0x1e: {  	s7 =	smul.u32 @!p0 $0xF7A, s2;
	p2 =	seq.s32 @!p0 s5, $0x0  }
0x1f: {  	s9 =	smul.u32 $0xF7A, s1;
	s8 =	simm.s32 @!p0 $0x1BF5;
	p2 =	por !p2, p0  }
0x20: {  	[sflag:s8] =	ssyncset.s32 @!p0 $0xFFFFF086;
	s6 =	sadd.s32 @!p0 s3, s7;
	s7 =	simm.s32 @!p0 $0x108  }
0x21: {  	s3 =	sadd.s32 s3, s9;
	s6 =	sadd.s32 @!p0 $0x88, s6;
	s7 =	simm.s32 @p2 $0x1082  }
0x22: {  	[simem:s7], [sflag:s8] =	dma.local @!p0 [hbm:s6], $0xF7A  }
0x23: {  	s9 =	sor.u32 $0xD0000000, s2;
	s6 =	simm.s32 $0x108;
	_ =	swait.ge @!p0 [sflag:s8], $0x0  }
0x24: {  	s3 =	sadd.s32 $0x88, s3;
	s6 =	simm.s32 @!p1 $0x1082;
	[sflag:s4] =	ssyncset.s32 $0xFFFFF086  }
0x25: {  	[simem:s6], [sflag:s4] =	dma.local [hbm:s3], $0xF7A  }
0x26: {  	[smem:$0x3F9B] =	sst s1;
	(tag) =	ssettag s2;
	_ =	strace s9  }
0x27: {  	s1 =	sld [smem:$0x3FAB]  }
0x28: {  	s2 =	sld [smem:$0x3FAC]  }
0x29: {  	s4 =	sld [smem:$0x3FAE]  }
0x2a: {  	p0 =	seq.s32 s5, $0x0;
	s5 =	sld [smem:$0x3FAF]  }
0x2b: {  	s6 =	sld [smem:$0x3FB0]  }
0x2c: {  	s7 =	sld [smem:$0x3FB1]  }
0x2d: {  	s3 =	simm.s32 $0x108;
	s8 =	sld [smem:$0x3FB2]  }
0x2e: {  	s3 =	simm.s32 @!p0 $0x1082;
	s9 =	sld [smem:$0x3FB3]  }
0x2f: {  	lr =	sadd.s32 s0, s3;
	s0 =	sld [smem:$0x3FAA]  }
0x30: {  	s3 =	sld [smem:$0x3FAD]  }
0x31: {  	[smem:$0x3FB6] =	sst s10  }
0x32: {  	s10 =	sld [smem:$0x3FB4];
	_ =	sdelay $0x3  }
0x33: {  	p0 =	seq.s32 s10, $0x1;
	s10 =	sld [smem:$0x3FB6];
	_ =	sdelay $0x3  }
0x34: {  	[smem:$0x3FB6] =	sst s10  }
0x35: {  	s10 =	sld [smem:$0x3FB5];
	_ =	sdelay $0x3  }
0x36: {  	p1 =	seq.s32 s10, $0x1;
	s10 =	sld [smem:$0x3FB6];
	_ =	sdelay $0x3  }
0x37: {  	[smem:$0x3FB6] =	sst s10  }
0x38: {  	s10 =	sld [smem:$0x3FB7]  }
0x39: {  	_ = 	snop;
	(pc) =	sbr.ind lr, $3  }
0x3a: {  	_ = 	snop  }
0x3b: {  	_ = 	snop  }
0x3c: {  	p2 =	seq.s32 s10, $0x1;
	s10 =	sld [smem:$0x3FB6]  }
0x3d: {  	_ =	shalt  }
0x3e: {  	_ =	shalt  }
0x3f: {  	_ =	shalt  }
0x40: {  	_ =	shalt  }
0x41: {  	_ =	shalt  }
0x42: {  	_ =	shalt  }
0x43: {  	_ =	shalt  }
0x44: {  	_ =	shalt  }
0x45: {  	_ =	shalt  }
0x46: {  	_ =	shalt  }
0x47: {  	_ =	shalt  }
0x48: {  	_ =	shalt  }
0x49: {  	_ =	shalt  }
0x4a: {  	_ =	shalt  }
0x4b: {  	_ =	shalt  }
0x4c: {  	_ =	shalt  }
0x4d: {  	_ =	shalt  }
0x4e: {  	_ =	shalt  }
0x4f: {  	_ =	shalt  }
0x50: {  	_ =	shalt  }
0x51: {  	_ =	shalt  }
0x52: {  	_ =	shalt  }
0x53: {  	_ =	shalt  }
0x54: {  	_ =	shalt  }
0x55: {  	_ =	shalt  }
0x56: {  	_ =	shalt  }
0x57: {  	_ =	shalt  }
0x58: {  	_ =	shalt  }
0x59: {  	_ =	shalt  }
0x5a: {  	_ =	shalt  }
0x5b: {  	_ =	shalt  }
0x5c: {  	_ =	shalt  }
0x5d: {  	_ =	shalt  }
0x5e: {  	_ =	shalt  }
0x5f: {  	_ =	shalt  }
0x60: {  	_ =	shalt  }
0x61: {  	_ =	shalt  }
0x62: {  	_ =	shalt  }
0x63: {  	_ =	shalt  }
0x64: {  	_ =	shalt  }
0x65: {  	_ =	shalt  }
0x66: {  	_ =	shalt  }
0x67: {  	_ =	shalt  }
0x68: {  	_ =	shalt  }
0x69: {  	_ =	shalt  }
0x6a: {  	_ =	shalt  }
0x6b: {  	_ =	shalt  }
0x6c: {  	_ =	shalt  }
0x6d: {  	_ =	shalt  }
0x6e: {  	_ =	shalt  }
0x6f: {  	_ =	shalt  }
0x70: {  	_ =	shalt  }
0x71: {  	_ =	shalt  }
0x72: {  	_ =	shalt  }
0x73: {  	_ =	shalt  }
0x74: {  	_ =	shalt  }
0x75: {  	_ =	shalt  }
0x76: {  	_ =	shalt  }
0x77: {  	_ =	shalt  }
0x78: {  	_ =	shalt  }
0x79: {  	_ =	shalt  }
0x7a: {  	_ =	shalt  }
0x7b: {  	_ =	shalt  }
0x7c: {  	_ =	shalt  }
0x7d: {  	_ =	shalt  }
0x7e: {  	_ =	shalt  }
0x7f: {  	_ =	shalt  }
0x80: {  	_ =	shalt  }
0x81: {  	_ =	shalt  }
0x82: {  	_ =	shalt  }
0x83: {  	_ =	shalt  }
0x84: {  	_ =	shalt  }
0x85: {  	_ =	shalt  }
0x86: {  	_ =	shalt  }
0x87: {  	_ =	shalt  }
.Lfunc_end0:
.L_simem_size_0:
called_computation.1_lowered:
.L_overlay_start_0:
0x88: {  	s2 =	sld [smem:$0x3FD9]  }
0x89: {  	s3 =	sld [smem:$0x3FFE];
	_ =	sdelay $0x1  }
0x8a: {  	s1 =	srdreg.scid  }
0x8b: {  	s0 =	sand.u32 $0x1, s1  }
0x8c: {  	s16 =	sshll.u32 s0, $0xA;
	s2 =	sadd.s32 s3, s2  }
0x8d: {  	s2 =	sadd.s32 s2, s16  }
0x8e: {  	[smem:$0x3FC2] =	sst s2  }
0x8f: {  	_ = 	snop  }
0x90: {  	(tm) =	ssettm $0x1  }
0x91: {  	s17 =	sld [smem:$0x3FFB];
	_ =	sdelay $0x3  }
0x92: {  	_ =	strace s17  }
0x93: {  	s2 =	sld [smem:$0x3FFC];
	_ =	sdelay $0x3  }
0x94: {  	_ =	strace s2  }
0x95: {  	s2 =	sld [smem:$0x3FFD];
	_ =	sdelay $0x3  }
0x96: {  	_ =	strace s2  }
0x97: {  	_ =	strace $0x8FFFFFFF  }
0x98: {  	s18 =	sld [smem:$0x3FDB];
	_ =	sdelay $0x1  }
0x99: {  	s19 =	simm.s32 $_scs_section_size  }
0x9a: {  	s4 =	simm.s32 $_size__tile_overlayer_lowered;
	s5 =	simm.s32 $_tile_overlayer_lowered  }
0x9b: {  	s22 =	simm.s32 $0x1BFF;
	s21 =	sshll.u32 s5, $0x1;
	s2 =	sadd.s32 s19, s18  }
0x9c: {  	s6 =	simm.s32 $0x0;
	s20 =	sshll.u32 s4, $0x1;
	s4 =	sadd.s32 s21, s2  }
0x9d: {  	[timem:s6], [sflag:s22] =	dma.local [hbm:s4], s20  }
0x9e: {  	_ =	swait.ge [sflag:s22], s20  }
0x9f: {  	s3 =	ssub.s32 $0x0, s20;
	[sflag:s22] =	ssyncset.done $0x0  }
0xa0: {  	[sflag:s22] =	ssyncadd.s32 s3;
	_ =	sdelay $0x1  }
0xa1: {  	s23 =	simm.s32 $0x1B8B  }
0xa2: {  	_ =	swait.ge [sflag:s23], $0x1  }
0xa3: {  	[sflag:s23] =	ssyncset.done $0x0  }
0xa4: {  	s25 =	simm.s32 $0x1B8E;
	s24 =	sld [smem:$0x3FFE];
	[sflag:s23] =	ssyncadd.s32 $0xFFFFFFFF  }
0xa5: {  	s26 =	simm.s32 $execute0_lowered;
	[smem:$0x3FD2] =	sst s25  }
0xa6: {  	s4 =	sshll.u32 s26, $0x1;
	_ =	strace $0x80000049;
	[dreg:$0x1] =	wrdreg $0xFFFFFFFF  }
0xa7: {  	s28 =	simm.s32 $_size_execute0_lowered;
	s2 =	sadd.s32 s2, s4;
	[dreg:$0x0] =	wrdreg $0x0  }
0xa8: {  	s4 =	sshll.u32 s28, $0x1;
	[dreg:$0x2] =	wrdreg s2  }
0xa9: {  	[dreg:$0x3] =	wrdreg s4  }
0xaa: {  	[dreg:$0x4] =	wrdreg $0xC0  }
0xab: {  	_ =	task [dreg:s6], $0x5FFFF  }
0xac: {  	[dreg:$0x1] =	wrdreg $0xFFFFFFFF  }
0xad: {  	[dreg:$0x0] =	wrdreg $0x60  }
0xae: {  	[dreg:$0x2] =	wrdreg s24  }
0xaf: {  	[dreg:$0x3] =	wrdreg $0x92200  }
0xb0: {  	[dreg:$0x4] =	wrdreg $0x9  }
0xb1: {  	_ =	task.clear_ibuf [dreg:s6], $0x5FFFF;
	_ =	strace $0x90000049  }
0xb2: {  	s29 =	simm.s32 $0x9;
	_ =	strace $0x8000004B  }
0xb3: {  	_ =	swait.ge [sflag:s29], $0x1  }
0xb4: {  	[sflag:s29] =	ssyncadd.s32 $0xFFFFFFFF  }
0xb5: {  	_ =	strace $0x9000004B  }
0xb6: {  	_ =	sfence  }
0xb7: {  	s30 =	sld [smem:$0x0];
	_ =	sdelay $0x2  }
0xb8: {  	s31 =	sshll.u32 s1, $0xD;
	s1 =	sshrl.u32 s1, $0x2  }
0xb9: {  	s3 =	sand.u32 $0x4000, s31;
	s1 =	sadd.s32 s1, s30  }
0xba: {  	s0 =	sor.u32 s3, s0;
	s1 =	sshll.u32 s1, $0x11  }
0xbb: {  	s0 =	sor.u32 s1, s0  }
0xbc: {  	s0 =	sadd.s32 $0x8F2B, s0  }
0xbd: {  	[sflag:s0] =	ssyncadd.remote.s32 $0x1  }
0xbe: {  	_ =	sfence.sel $0xFFFF  }
0xbf: {  	[dreg:$0x0] =	wrdreg $0xFFFFFFFF;
	(pc) =	sbr.abs _section_cstart, $3  }
0xc0: {  	[dreg:$0x1] =	wrdreg $0xFFFFFFFF  }
0xc1: {  	_ =	task.clear_ibuf [dreg:s6], $0x2FFFF;
	_ =	strace $0x9FFFFFFF  }
0xc2: {  	(tm) =	ssettm $0x7FFFFFFF  }
0xc3: {  	_ =	shalt  }
tec
execute0_lowered:
.L_overlay_start_1:
0x0: {  	(tag) =	ssettag $0x1  }
0x1: {  	s0 =	rddreg [dreg:$0x0]  }
0x2: {  	s1 =	rddreg [dreg:$0x1]  }
0x3: {  	s3 =	srdreg.scid;
	s11 =	stileid.u32;
	s2 =	simm.s32 $0x0  }
0x4: {  	s17 =	simm.s32 $0x4E20;
	s18 =	simm.s32 $0x6E20;
	s19 =	simm.s32 $0x10  }
0x5: {  	s20 =	simm.s32 $0x2700;
	s21 =	simm.s32 $0x8E20;
	s28 =	simm.s32 $0x4E10  }
0x6: {  	s29 =	simm.s32 $0x8;
	s30 =	simm.s32 $0x0;
	s7 =	sand.u32 $0x1, s3  }
0x7: {  	s22 =	sshll.u32 s11, $0x1;
	[smem:$0x7FF] =	sst s2;
	s4 =	smul.u32 $0x9C00, s11  }
0x8: {  	s10 =	sadd.s32 $0x3D200, s0;
	s23 =	sshll.u32 s11, $0x6;
	s24 =	smul.u32 $0x13800, s11  }
0x9: {  	s15 =	sadd.s32 $0x9C000, s1;
	p0 =	sne.s32 s11, $0x0;
	s3 =	sor.u32 s7, s22  }
0xa: {  	_ =	strace $0x8000004A;
	s6 =	ssub.s32 $0x2, s7;
	s16 =	sshll.u32 s7, $0x6  }
0xb: {  	s25 =	sshll.u32 s7, $0x3;
	s22 =	simm.s32 $0x1;
	s14 =	smul.u32 $0x4E2, s3  }
0xc: {  	s3 =	sadd.s32 $0x15E00, s0;
	s5 =	sshrl.u32 s4, $0x3;
	s9 =	sshrl.u32 s6, $0x1  }
0xd: {  	s13 =	sadd.s32 s4, s1;
	s31 =	sadd.s32 s25, s10;
	s25 =	simm.s32 $0x4D90  }
0xe: {  	s5 =	sadd.s32 s5, s0;
	s12 =	ssub.s32 s6, s9;
	s6 =	sadd.s32 $0x3D000, s0  }
0xf: {  	s9 =	sor.u32 s16, s24;
	s11 =	sshrl.u32 s13, $0x3;
	s13 =	sshrl.u32 @!p0 s15, $0x3  }
0x10: {  	s16 =	simm.s32 $0x80;
	s24 =	simm.s32 $0x4D10;
	s8 =	sadd.s32 s14, s0  }
0x11: {  	s4 =	sadd.s32 $0x29800, s5;
	s5 =	sor.u32 $0x1C04, s23;
	s26 =	sshrl.u32 s9, $0x3  }
0x12: {  	s0 =	sadd.s32 $0xC040, s0;
	s9 =	sadd.s32 $0x27000, s31;
	s23 =	simm.s32 $0x2  }
0x13: {  	s7 =	sadd.s32 $0x2400, s8;
	s8 =	sadd.s32 s10, s26;
	s10 =	smax.u32 s12, $0x1  }
0x14: {  	s12 =	simm.s32 $0x4;
	s14 =	sadd.s32 s14, s0;
	s26 =	simm.s32 $0x3  }
.LBB2_1:
0x15: {  	[spmem:s11], [sflag:s5] =	dma.local [hbm:s4], $0x1380  }
0x16: {  	_ =	swait.ge [sflag:s12], $0x1380  }
0x17: {  	[sflag:s12] =	ssyncset.done $0x0  }
0x18: {  	s0 =	simm.s32 @!p0 $0x4;
	[sflag:s12] =	ssyncadd.s32 $0xFFFFEC80  }
0x19: {  	[spmem:s13], [sflag:s5] =	dma.local @!p0 [hbm:s6], $0x80  }
0x1a: {  	_ =	swait.ge @!p0 [sflag:s0], $0x80  }
0x1b: {  	[sflag:s0] =	ssyncset.done @!p0 $0x0  }
0x1c: {  	[sflag:s0] =	ssyncadd.s32 @!p0 $0xFFFFFF80  }
0x1d: {  	[bflag:$0x0] =	sbarrier.arrive $0xFFFF  }
0x1e: {  	[tilespmem:s2], [sflag:$0x4] =	stream.linear.gather [hbm4b:s7+s2], $0x2710, $0x38;
	[tilespmem:$0x12E60] =	vst v63  }
0x1f: {  	_ =	swait.ge [sflag:s12], $0x2710  }
0x20: {  	[sflag:s12] =	ssyncset.done $0x0  }
0x21: {  	s15 =	simm.s32 $0x2710;
	[sflag:s12] =	ssyncadd.s32 $0xFFFFD8F0  }
0x22: {  	[tilespmem:s15], [sflag:$0x4] =	stream.linear.gather [hbm4b:s14+s2], $0x2710, $0x38;
	[tilespmem:$0x12E60] =	vst v63  }
0x23: {  	_ =	swait.ge [sflag:s12], $0x2710  }
0x24: {  	[sflag:s12] =	ssyncset.done $0x0  }
0x25: {  	[sflag:s12] =	ssyncadd.s32 $0xFFFFD8F0  }
0x26: {  	[tilespmem:s17], [sflag:$0x1] =	stream.indirect.gather [hbm4b:s3+s16], $0x40, s2, s16, $0xb8;
	[tilespmem:$0x12E60] =	vst v63  }
0x27: {  	_ = 	snop  }
0x28: {  	[tilespmem:s18], [sflag:$0x2] =	stream.indirect.gather [hbm4b:s3+s16], $0x40, s16, s16, $0xb8;
	[tilespmem:$0x12E60] =	vst v63  }
0x29: {  	_ = 	snop  }
0x2a: {  	[tilespmem:s21], [sflag:$0x3] =	stream.indirect.gather [hbm4b:s3+s19], $0x40, s20, s19, $0xb8;
	[tilespmem:$0x12E60] =	vst v63  }
0x2b: {  	_ =	swait.ge [sflag:s22], $0x2000  }
0x2c: {  	[sflag:s22] =	ssyncset.done $0x0  }
0x2d: {  	s15 =	simm.s32 $0x2710;
	[sflag:s22] =	ssyncadd.s32 $0xFFFFE000  }
0x2e: {  	[spmem:s1] =	stream.indirect.scatter.add.f32 [tilespmem:s17], [sflag:$0x4], $0x40, s15, s16, $0xb8;
	[tilespmem:$0x12E60] =	vst v63  }
0x2f: {  	_ =	swait.ge [sflag:s12], $0x2000  }
0x30: {  	[sflag:s12] =	ssyncset.done $0x0  }
0x31: {  	s15 =	simm.s32 $0x100;
	[sflag:s12] =	ssyncadd.s32 $0xFFFFE000  }
0x32: {  	[tilespmem:s17], [sflag:$0x1] =	stream.indirect.gather [hbm4b:s3+s16], $0x40, s15, s16, $0xb8;
	[tilespmem:$0x12E60] =	vst v63  }
0x33: {  	_ =	swait.ge [sflag:s23], $0x2000  }
0x34: {  	[sflag:s23] =	ssyncset.done $0x0  }
0x35: {  	s15 =	simm.s32 $0x2790;
	[sflag:s23] =	ssyncadd.s32 $0xFFFFE000  }
0x36: {  	[spmem:s1] =	stream.indirect.scatter.add.f32 [tilespmem:s18], [sflag:$0x4], $0x40, s15, s16, $0xb8;
	[tilespmem:$0x12E60] =	vst v63  }
0x37: {  	_ =	swait.ge [sflag:s12], $0x2000  }
0x38: {  	[sflag:s12] =	ssyncset.done $0x0  }
0x39: {  	s31 =	simm.s32 $0x400;
	s0 =	simm.s32 $0x180;
	[sflag:s12] =	ssyncadd.s32 $0xFFFFE000  }
.LBB2_2:
0x3a: {  	[tilespmem:s18], [sflag:$0x2] =	stream.indirect.gather [hbm4b:s3+s16], $0x40, s0, s16, $0xb8;
	[tilespmem:$0x12E60] =	vst v63  }
0x3b: {  	s0 =	smov.u32 s31  }
0x3c: {  	p1 =	sne.s32 s31, $0x9400;
	s31 =	sadd.s32 $0x400, s31;
	_ =	swait.ge [sflag:s22], $0x2000  }
0x3d: {  	s0 =	sshra.s32 s0, $0x2;
	[sflag:s22] =	ssyncset.done $0x0  }
0x3e: {  	s15 =	sadd.s32 $0x2710, s0;
	[sflag:s22] =	ssyncadd.s32 $0xFFFFE000  }
0x3f: {  	[spmem:s1] =	stream.indirect.scatter.add.f32 [tilespmem:s17], [sflag:$0x4], $0x40, s15, s16, $0xb8;
	[tilespmem:$0x12E60] =	vst v63  }
0x40: {  	_ =	swait.ge [sflag:s12], $0x2000  }
0x41: {  	[sflag:s12] =	ssyncset.done $0x0  }
0x42: {  	s15 =	sadd.s32 $0x100, s0;
	[sflag:s12] =	ssyncadd.s32 $0xFFFFE000  }
0x43: {  	[tilespmem:s17], [sflag:$0x1] =	stream.indirect.gather [hbm4b:s3+s16], $0x40, s15, s16, $0xb8;
	[tilespmem:$0x12E60] =	vst v63  }
0x44: {  	_ =	swait.ge [sflag:s23], $0x2000  }
0x45: {  	[sflag:s23] =	ssyncset.done $0x0  }
.Ltmp0:
0x46: {  	s15 =	sadd.s32 $0x2790, s0;
	[sflag:s23] =	ssyncadd.s32 $0xFFFFE000;
	(pc) =	sbr.rel @p1 .LBB2_2-.Ltmp0, $4  }
0x47: {  	[spmem:s1] =	stream.indirect.scatter.add.f32 [tilespmem:s18], [sflag:$0x4], $0x40, s15, s16, $0xb8;
	[tilespmem:$0x12E60] =	vst v63  }
0x48: {  	_ =	swait.ge [sflag:s12], $0x2000  }
0x49: {  	[sflag:s12] =	ssyncset.done $0x0  }
0x4a: {  	s0 =	sadd.s32 $0x180, s0;
	[sflag:s12] =	ssyncadd.s32 $0xFFFFE000  }
0x4b: {  	[tilespmem:s18], [sflag:$0x2] =	stream.indirect.gather [hbm4b:s3+s16], $0x40, s0, s16, $0xb8;
	[tilespmem:$0x12E60] =	vst v63  }
0x4c: {  	_ =	swait.ge [sflag:s22], $0x2000  }
0x4d: {  	[sflag:s22] =	ssyncset.done $0x0  }
0x4e: {  	[sflag:s22] =	ssyncadd.s32 $0xFFFFE000  }
0x4f: {  	[spmem:s1] =	stream.indirect.scatter.add.f32 [tilespmem:s17], [sflag:$0x4], $0x40, s24, s16, $0xb8;
	[tilespmem:$0x12E60] =	vst v63  }
0x50: {  	_ =	swait.ge [sflag:s12], $0x2000  }
0x51: {  	[sflag:s12] =	ssyncset.done $0x0  }
0x52: {  	[sflag:s12] =	ssyncadd.s32 $0xFFFFE000  }
0x53: {  	_ =	swait.ge [sflag:s23], $0x2000  }
0x54: {  	[sflag:s23] =	ssyncset.done $0x0  }
0x55: {  	[sflag:s23] =	ssyncadd.s32 $0xFFFFE000  }
0x56: {  	[spmem:s1] =	stream.indirect.scatter.add.f32 [tilespmem:s18], [sflag:$0x4], $0x40, s25, s16, $0xb8;
	[tilespmem:$0x12E60] =	vst v63  }
0x57: {  	_ =	swait.ge [sflag:s12], $0x2000  }
0x58: {  	[sflag:s12] =	ssyncset.done $0x0  }
0x59: {  	[sflag:s12] =	ssyncadd.s32 $0xFFFFE000  }
0x5a: {  	_ =	swait.ge [sflag:s26], $0x400  }
0x5b: {  	[sflag:s26] =	ssyncset.done $0x0  }
0x5c: {  	[sflag:s26] =	ssyncadd.s32 $0xFFFFFC00  }
0x5d: {  	[spmem:s1] =	stream.indirect.scatter.add.f32 [tilespmem:s21], [sflag:$0x4], $0x40, s28, s19, $0xb8;
	[tilespmem:$0x12E60] =	vst v63  }
0x5e: {  	_ =	swait.ge [sflag:s12], $0x400  }
0x5f: {  	[sflag:s12] =	ssyncset.done $0x0  }
0x60: {  	[sflag:s12] =	ssyncadd.s32 $0xFFFFFC00  }
0x61: {  	[bflag:$0x0] =	sbarrier.arrive $0xFFFF  }
0x62: {  	[hbm:s8@s19], [sflag:s5] =	dma.strided [spmem:s11@s29], $0x1380, s22, $0x8   }
0x63: {  	s0 =	simm.s32 @!p0 $0x1;
	_ =	swait.ge [sflag:s12], $0x1380  }
0x64: {  	s15 =	simm.s32 @!p0 $0x10;
	s30 =	sadd.s32 $0x1, s30;
	[sflag:s12] =	ssyncset.done $0x0  }
0x65: {  	s31 =	simm.s32 @!p0 $0x8;
	p1 =	sne.s32 s30, s10;
	[sflag:s12] =	ssyncadd.s32 $0xFFFFEC80  }
0x66: {  	[hbm:s9@s15], [sflag:s5] =	dma.strided @!p0 [spmem:s13@s31], $0x80, s0, $0x8   }
.Ltmp1:
0x67: {  	_ = 	snop;
	(pc) =	sbr.rel @p1 .LBB2_1-.Ltmp1, $4  }
0x68: {  	s0 =	simm.s32 @!p0 $0x4  }
0x69: {  	_ =	swait.ge @!p0 [sflag:s0], $0x80  }
0x6a: {  	[sflag:s0] =	ssyncset.done @!p0 $0x0  }
0x6b: {  	[sflag:s0] =	ssyncadd.s32 @!p0 $0xFFFFFF80  }
0x6c: {  	_ =	sfence.sel $0x180000  }
0x6d: {  	[bflag:$0x0] =	sbarrier.arrive $0xFFFF  }
0x6e: {  	_ =	strace $0x9000004A  }
0x6f: {  	[bflag:$0x2] =	sbarrier.arrive $0xFFFF  }
0x70: {  	s0 =	rddreg [dreg:$0x2]  }
0x71: {  	s0 =	sadd.s32 @!p0 $0x100000, s0  }
0x72: {  	[sflag:s0] =	ssyncadd.tile.s32 @!p0 $0x1;
	_ =	shalt  }
.Lfunc_end2:
_tile_overlayer_lowered:
.L_overlay_start_2:
0x73: {  	(tag) =	ssettag $0x2  }
0x74: {  	s0 =	rddreg [dreg:$0x0];
	s2 =	stileid.u32  }
0x75: {  	s1 =	rddreg [dreg:$0x1];
	p0 =	sne.s32 s2, $0x0  }
0x76: {  	s3 =	rddreg [dreg:$0x2];
	[bflag:$0x3] =	sbarrier.arrive $0xFFFF;
	s2 =	simm.s32 @!p0 $0x1C04  }
0x77: {  	[timem:s3], [sflag:s2] =	dma.local @!p0 [hbm:s0], s1  }
0x78: {  	s0 =	simm.s32 @!p0 $0x4  }
0x79: {  	_ =	swait.ge @!p0 [sflag:s0], s1  }
0x7a: {  	s1 =	ssub.s32 @!p0 $0x0, s1;
	[sflag:s0] =	ssyncset.done @!p0 $0x0  }
0x7b: {  	[sflag:s0] =	ssyncadd.s32 @!p0 s1  }
0x7c: {  	[bflag:$0x3] =	sbarrier.arrive $0xFFFF  }
0x7d: {  	_ =	shalt  }

// kernel: kernel.14.cloned.1.call-start
scs
__scs_entry_jumppad:
0x0: {  	(pc) =	sbr.rel $0x88, $3  }
0x1: {  	(tag) =	ssettag $0x0;
	lr =	simm.s32 $0x1  }
0x2: {  	[smem:$0x3F9B] =	sst lr;
	_ =	strace $0xD0000000  }
0x3: {  	_ = 	snop  }
0x4: {  	_ = 	snop  }
0x5: {  	_ = 	snop  }
0x6: {  	_ = 	snop  }
0x7: {  	_ = 	snop  }
__scs_overlays_trampoline_lowered:
0x8: {  	[smem:$0x3FAA] =	sst s0  }
0x9: {  	[smem:$0x3FAB] =	sst s1  }
0xa: {  	[smem:$0x3FAC] =	sst s2  }
0xb: {  	[smem:$0x3FAD] =	sst s3  }
0xc: {  	[smem:$0x3FAE] =	sst s4  }
0xd: {  	[smem:$0x3FAF] =	sst s5  }
0xe: {  	[smem:$0x3FB0] =	sst s6  }
0xf: {  	[smem:$0x3FB1] =	sst s7  }
0x10: {  	[smem:$0x3FB2] =	sst s8  }
0x11: {  	[smem:$0x3FB3] =	sst s9;
	s0 =	simm.s32 @!p0 $0x0  }
0x12: {  	s1 =	sld [smem:$0x3F99];
	s0 =	simm.s32 @p0 $0x1  }
0x13: {  	[smem:$0x3FB4] =	sst s0;
	s0 =	simm.s32 @!p1 $0x0  }
0x14: {  	s2 =	sld [smem:$0x3F98];
	s0 =	simm.s32 @p1 $0x1  }
0x15: {  	[smem:$0x3FB5] =	sst s0;
	s0 =	simm.s32 @!p2 $0x0  }
0x16: {  	s3 =	sld [smem:$0x3FDB];
	s0 =	simm.s32 @p2 $0x1  }
0x17: {  	s4 =	simm.s32 $0x1BF5;
	[smem:$0x3FB7] =	sst s0  }
0x18: {  	s0 =	sld [smem:$0x3F9A];
	_ =	swait.ge [sflag:s4], $0x0  }
0x19: {  	s7 =	sld [smem:$0x3F9B]  }
0x1a: {  	s8 =	sadd.s32 $0xFFFFE003, lr  }
0x1b: {  	s9 =	sadd.s32 $0xFFFFFEF7, lr;
	s5 =	simm.s32 $0xFFFFFFFF;
	p2 =	slt.u32 s8, $0xFFFFF086  }
0x1c: {  	p1 =	slt.u32 s9, $0xF7A;
	s5 =	simm.s32 @!p2 $0x0  }
0x1d: {  	s5 =	simm.s32 @p1 $0x1;
	p0 =	seq.s32 s7, s2  }
0x1e: {  	s7 =	smul.u32 @!p0 $0xF7A, s2;
	p2 =	seq.s32 @!p0 s5, $0x0  }
0x1f: {  	s9 =	smul.u32 $0xF7A, s1;
	s8 =	simm.s32 @!p0 $0x1BF5;
	p2 =	por !p2, p0  }
0x20: {  	[sflag:s8] =	ssyncset.s32 @!p0 $0xFFFFF086;
	s6 =	sadd.s32 @!p0 s3, s7;
	s7 =	simm.s32 @!p0 $0x108  }
0x21: {  	s3 =	sadd.s32 s3, s9;
	s6 =	sadd.s32 @!p0 $0x88, s6;
	s7 =	simm.s32 @p2 $0x1082  }
0x22: {  	[simem:s7], [sflag:s8] =	dma.local @!p0 [hbm:s6], $0xF7A  }
0x23: {  	s9 =	sor.u32 $0xD0000000, s2;
	s6 =	simm.s32 $0x108;
	_ =	swait.ge @!p0 [sflag:s8], $0x0  }
0x24: {  	s3 =	sadd.s32 $0x88, s3;
	s6 =	simm.s32 @!p1 $0x1082;
	[sflag:s4] =	ssyncset.s32 $0xFFFFF086  }
0x25: {  	[simem:s6], [sflag:s4] =	dma.local [hbm:s3], $0xF7A  }
0x26: {  	[smem:$0x3F9B] =	sst s1;
	(tag) =	ssettag s2;
	_ =	strace s9  }
0x27: {  	s1 =	sld [smem:$0x3FAB]  }
0x28: {  	s2 =	sld [smem:$0x3FAC]  }
0x29: {  	s4 =	sld [smem:$0x3FAE]  }
0x2a: {  	p0 =	seq.s32 s5, $0x0;
	s5 =	sld [smem:$0x3FAF]  }
0x2b: {  	s6 =	sld [smem:$0x3FB0]  }
0x2c: {  	s7 =	sld [smem:$0x3FB1]  }
0x2d: {  	s3 =	simm.s32 $0x108;
	s8 =	sld [smem:$0x3FB2]  }
0x2e: {  	s3 =	simm.s32 @!p0 $0x1082;
	s9 =	sld [smem:$0x3FB3]  }
0x2f: {  	lr =	sadd.s32 s0, s3;
	s0 =	sld [smem:$0x3FAA]  }
0x30: {  	s3 =	sld [smem:$0x3FAD]  }
0x31: {  	[smem:$0x3FB6] =	sst s10  }
0x32: {  	s10 =	sld [smem:$0x3FB4];
	_ =	sdelay $0x3  }
0x33: {  	p0 =	seq.s32 s10, $0x1;
	s10 =	sld [smem:$0x3FB6];
	_ =	sdelay $0x3  }
0x34: {  	[smem:$0x3FB6] =	sst s10  }
0x35: {  	s10 =	sld [smem:$0x3FB5];
	_ =	sdelay $0x3  }
0x36: {  	p1 =	seq.s32 s10, $0x1;
	s10 =	sld [smem:$0x3FB6];
	_ =	sdelay $0x3  }
0x37: {  	[smem:$0x3FB6] =	sst s10  }
0x38: {  	s10 =	sld [smem:$0x3FB7]  }
0x39: {  	_ = 	snop;
	(pc) =	sbr.ind lr, $3  }
0x3a: {  	_ = 	snop  }
0x3b: {  	_ = 	snop  }
0x3c: {  	p2 =	seq.s32 s10, $0x1;
	s10 =	sld [smem:$0x3FB6]  }
0x3d: {  	_ =	shalt  }
0x3e: {  	_ =	shalt  }
0x3f: {  	_ =	shalt  }
0x40: {  	_ =	shalt  }
0x41: {  	_ =	shalt  }
0x42: {  	_ =	shalt  }
0x43: {  	_ =	shalt  }
0x44: {  	_ =	shalt  }
0x45: {  	_ =	shalt  }
0x46: {  	_ =	shalt  }
0x47: {  	_ =	shalt  }
0x48: {  	_ =	shalt  }
0x49: {  	_ =	shalt  }
0x4a: {  	_ =	shalt  }
0x4b: {  	_ =	shalt  }
0x4c: {  	_ =	shalt  }
0x4d: {  	_ =	shalt  }
0x4e: {  	_ =	shalt  }
0x4f: {  	_ =	shalt  }
0x50: {  	_ =	shalt  }
0x51: {  	_ =	shalt  }
0x52: {  	_ =	shalt  }
0x53: {  	_ =	shalt  }
0x54: {  	_ =	shalt  }
0x55: {  	_ =	shalt  }
0x56: {  	_ =	shalt  }
0x57: {  	_ =	shalt  }
0x58: {  	_ =	shalt  }
0x59: {  	_ =	shalt  }
0x5a: {  	_ =	shalt  }
0x5b: {  	_ =	shalt  }
0x5c: {  	_ =	shalt  }
0x5d: {  	_ =	shalt  }
0x5e: {  	_ =	shalt  }
0x5f: {  	_ =	shalt  }
0x60: {  	_ =	shalt  }
0x61: {  	_ =	shalt  }
0x62: {  	_ =	shalt  }
0x63: {  	_ =	shalt  }
0x64: {  	_ =	shalt  }
0x65: {  	_ =	shalt  }
0x66: {  	_ =	shalt  }
0x67: {  	_ =	shalt  }
0x68: {  	_ =	shalt  }
0x69: {  	_ =	shalt  }
0x6a: {  	_ =	shalt  }
0x6b: {  	_ =	shalt  }
0x6c: {  	_ =	shalt  }
0x6d: {  	_ =	shalt  }
0x6e: {  	_ =	shalt  }
0x6f: {  	_ =	shalt  }
0x70: {  	_ =	shalt  }
0x71: {  	_ =	shalt  }
0x72: {  	_ =	shalt  }
0x73: {  	_ =	shalt  }
0x74: {  	_ =	shalt  }
0x75: {  	_ =	shalt  }
0x76: {  	_ =	shalt  }
0x77: {  	_ =	shalt  }
0x78: {  	_ =	shalt  }
0x79: {  	_ =	shalt  }
0x7a: {  	_ =	shalt  }
0x7b: {  	_ =	shalt  }
0x7c: {  	_ =	shalt  }
0x7d: {  	_ =	shalt  }
0x7e: {  	_ =	shalt  }
0x7f: {  	_ =	shalt  }
0x80: {  	_ =	shalt  }
0x81: {  	_ =	shalt  }
0x82: {  	_ =	shalt  }
0x83: {  	_ =	shalt  }
0x84: {  	_ =	shalt  }
0x85: {  	_ =	shalt  }
0x86: {  	_ =	shalt  }
0x87: {  	_ =	shalt  }
.Lfunc_end0:
.L_simem_size_0:
called_computation.2_lowered:
.L_overlay_start_0:
0x88: {  	s2 =	sld [smem:$0x3FD9]  }
0x89: {  	s3 =	sld [smem:$0x3FFE];
	_ =	sdelay $0x1  }
0x8a: {  	s1 =	srdreg.scid  }
0x8b: {  	s0 =	sand.u32 $0x1, s1  }
0x8c: {  	s17 =	sshll.u32 s0, $0xA;
	s2 =	sadd.s32 s3, s2  }
0x8d: {  	s2 =	sadd.s32 s2, s17  }
0x8e: {  	[smem:$0x3FC2] =	sst s2  }
0x8f: {  	_ = 	snop  }
0x90: {  	s2 =	sld [smem:$0x3FD0];
	(tm) =	ssettm $0x1  }
0x91: {  	s18 =	sld [smem:$0x3FFB];
	_ =	sdelay $0x3  }
0x92: {  	_ =	strace s18  }
0x93: {  	s3 =	sld [smem:$0x3FFC];
	_ =	sdelay $0x3  }
0x94: {  	_ =	strace s3  }
0x95: {  	s3 =	sld [smem:$0x3FFD];
	_ =	sdelay $0x3  }
0x96: {  	_ =	strace s3  }
0x97: {  	_ =	strace $0x8FFFFFFF  }
0x98: {  	s19 =	sld [smem:$0x3FDB];
	_ =	sdelay $0x1  }
0x99: {  	s4 =	simm.s32 $_scs_section_size  }
0x9a: {  	s5 =	simm.s32 $_size__tile_overlayer_lowered;
	s6 =	simm.s32 $_tile_overlayer_lowered  }
0x9b: {  	s22 =	simm.s32 $0x1BFF;
	s21 =	sshll.u32 s6, $0x1;
	s3 =	sadd.s32 s4, s19  }
0x9c: {  	s7 =	simm.s32 $0x0;
	s20 =	sshll.u32 s5, $0x1;
	s5 =	sadd.s32 s21, s3  }
0x9d: {  	[timem:s7], [sflag:s22] =	dma.local [hbm:s5], s20  }
0x9e: {  	_ =	swait.ge [sflag:s22], s20  }
0x9f: {  	s4 =	ssub.s32 $0x0, s20;
	[sflag:s22] =	ssyncset.done $0x0  }
0xa0: {  	[sflag:s22] =	ssyncadd.s32 s4;
	_ =	sdelay $0x1  }
0xa1: {  	s23 =	simm.s32 $0x1B8B  }
0xa2: {  	_ =	swait.ge [sflag:s23], $0x1  }
0xa3: {  	[sflag:s23] =	ssyncset.done $0x0  }
0xa4: {  	s25 =	simm.s32 $0x1B8E;
	s24 =	sld [smem:$0x3FFE];
	[sflag:s23] =	ssyncadd.s32 $0xFFFFFFFF  }
0xa5: {  	s26 =	simm.s32 $execute0_lowered;
	[smem:$0x3FD2] =	sst s25  }
0xa6: {  	s5 =	sshll.u32 s26, $0x1;
	_ =	strace $0x8000004C;
	[dreg:$0x1] =	wrdreg $0xFFFFFFFF  }
0xa7: {  	s28 =	simm.s32 $_size_execute0_lowered;
	s3 =	sadd.s32 s3, s5;
	[dreg:$0x0] =	wrdreg $0x0  }
0xa8: {  	s5 =	sshll.u32 s28, $0x1;
	[dreg:$0x2] =	wrdreg s3  }
0xa9: {  	[dreg:$0x3] =	wrdreg s5  }
0xaa: {  	[dreg:$0x4] =	wrdreg $0xC0  }
0xab: {  	_ =	task [dreg:s7], $0x5FFFF  }
0xac: {  	[dreg:$0x1] =	wrdreg $0xFFFFFFFF  }
0xad: {  	[dreg:$0x0] =	wrdreg $0x60  }
0xae: {  	[dreg:$0x2] =	wrdreg s2  }
0xaf: {  	[dreg:$0x3] =	wrdreg s24  }
0xb0: {  	[dreg:$0x4] =	wrdreg $0x5F200  }
0xb1: {  	[dreg:$0x5] =	wrdreg $0x9  }
0xb2: {  	_ =	task.clear_ibuf [dreg:s7], $0x6FFFF;
	_ =	strace $0x9000004C  }
0xb3: {  	s29 =	simm.s32 $0x9;
	_ =	strace $0x8000004E  }
0xb4: {  	_ =	swait.ge [sflag:s29], $0x1  }
0xb5: {  	[sflag:s29] =	ssyncadd.s32 $0xFFFFFFFF  }
0xb6: {  	_ =	strace $0x9000004E  }
0xb7: {  	_ =	sfence  }
0xb8: {  	s30 =	sld [smem:$0x0];
	_ =	sdelay $0x2  }
0xb9: {  	s31 =	sshll.u32 s1, $0xD;
	s1 =	sshrl.u32 s1, $0x2  }
0xba: {  	s3 =	sand.u32 $0x4000, s31;
	s1 =	sadd.s32 s1, s30  }
0xbb: {  	s0 =	sor.u32 s3, s0;
	s1 =	sshll.u32 s1, $0x11  }
0xbc: {  	s0 =	sor.u32 s1, s0  }
0xbd: {  	s0 =	sadd.s32 $0x8F2B, s0  }
0xbe: {  	[sflag:s0] =	ssyncadd.remote.s32 $0x1  }
0xbf: {  	_ =	sfence.sel $0xFFFF  }
0xc0: {  	[dreg:$0x0] =	wrdreg $0xFFFFFFFF;
	(pc) =	sbr.abs _section_cstart, $3  }
0xc1: {  	[dreg:$0x1] =	wrdreg $0xFFFFFFFF  }
0xc2: {  	_ =	task.clear_ibuf [dreg:s7], $0x2FFFF;
	_ =	strace $0x9FFFFFFF  }
0xc3: {  	(tm) =	ssettm $0x7FFFFFFF  }
tec
execute0_lowered:
.L_overlay_start_1:
0x0: {  	(tag) =	ssettag $0x1  }
0x1: {  	s0 =	rddreg [dreg:$0x0]  }
0x2: {  	s1 =	srdreg.scid;
	s8 =	rddreg [dreg:$0x1]  }
0x3: {  	s11 =	stileid.u32;
	s2 =	rddreg [dreg:$0x2]  }
0x4: {  	s3 =	simm.s32 $0x0;
	s18 =	simm.s32 $0x5620;
	s19 =	simm.s32 $0x10  }
0x5: {  	s20 =	simm.s32 $0x2700;
	s21 =	simm.s32 $0x5E20;
	s22 =	simm.s32 $0x1  }
0x6: {  	s23 =	simm.s32 $0x2;
	s24 =	simm.s32 $0x4D10;
	s28 =	simm.s32 $0x4E10  }
0x7: {  	s29 =	simm.s32 $0x0;
	s9 =	sand.u32 $0x1, s1;
	s25 =	sshll.u32 s11, $0x1  }
0x8: {  	[smem:$0x7FF] =	sst s3;
	s26 =	smul.u32 $0x2700, s11;
	s12 =	sadd.s32 $0x1AE00, s8  }
0x9: {  	s30 =	sshll.u32 s11, $0x6;
	s15 =	smul.u32 $0x4E00, s11;
	s17 =	sadd.s32 $0x27000, s2  }
0xa: {  	s31 =	sadd.s32 $0xC040, s8;
	p0 =	sne.s32 s11, $0x0;
	s4 =	sor.u32 s9, s25  }
0xb: {  	_ =	strace $0x8000004D;
	s5 =	ssub.s32 $0x2, s9;
	s16 =	sshll.u32 s9, $0x4  }
0xc: {  	s9 =	sshll.u32 s9, $0x1;
	s25 =	simm.s32 $0x4D90;
	s14 =	smul.u32 $0x4E2, s4  }
0xd: {  	s6 =	sshrl.u32 s26, $0x3;
	s10 =	sshrl.u32 s5, $0x1;
	s13 =	sadd.s32 s26, s2  }
0xe: {  	s15 =	sor.u32 s16, s15;
	s9 =	sadd.s32 s9, s12;
	s16 =	simm.s32 $0x80  }
0xf: {  	s26 =	simm.s32 $0x3;
	s6 =	sadd.s32 s6, s8;
	s10 =	ssub.s32 s5, s10  }
0x10: {  	s5 =	sor.u32 $0x1C04, s30;
	s15 =	sshrl.u32 s15, $0x3;
	s9 =	sadd.s32 $0x9C00, s9  }
0x11: {  	s11 =	sshrl.u32 s13, $0x3;
	s13 =	sshrl.u32 @!p0 s17, $0x3;
	s17 =	simm.s32 $0x4E20  }
0x12: {  	s7 =	sadd.s32 s14, s8;
	s4 =	sadd.s32 $0x15E00, s6;
	s6 =	sadd.s32 $0x1AC00, s8  }
0x13: {  	s8 =	sadd.s32 s12, s15;
	s10 =	smax.u32 s10, $0x1;
	s12 =	simm.s32 $0x4  }
0x14: {  	s14 =	sadd.s32 s14, s31;
	s15 =	simm.s32 $0x2710;
	s7 =	sadd.s32 $0x2400, s7  }
.LBB2_1:
0x15: {  	[spmem:s11], [sflag:s5] =	dma.local [hbm:s4], $0x4E0  }
0x16: {  	_ =	swait.ge [sflag:s12], $0x4E0  }
0x17: {  	[sflag:s12] =	ssyncset.done $0x0  }
0x18: {  	s30 =	simm.s32 @!p0 $0x4;
	[sflag:s12] =	ssyncadd.s32 $0xFFFFFB20  }
0x19: {  	[spmem:s13], [sflag:s5] =	dma.local @!p0 [hbm:s6], $0x20  }
0x1a: {  	_ =	swait.ge @!p0 [sflag:s30], $0x20  }
0x1b: {  	[sflag:s30] =	ssyncset.done @!p0 $0x0  }
0x1c: {  	[sflag:s30] =	ssyncadd.s32 @!p0 $0xFFFFFFE0  }
0x1d: {  	[bflag:$0x0] =	sbarrier.arrive $0xFFFF  }
0x1e: {  	[tilespmem:s3], [sflag:$0x4] =	stream.linear.gather [hbm4b:s7+s3], $0x2710, $0x38;
	[tilespmem:$0x8630] =	vst v63  }
0x1f: {  	_ =	swait.ge [sflag:s12], $0x2710  }
0x20: {  	[sflag:s12] =	ssyncset.done $0x0  }
0x21: {  	[sflag:s12] =	ssyncadd.s32 $0xFFFFD8F0  }
0x22: {  	[tilespmem:s15], [sflag:$0x4] =	stream.linear.gather [hbm4b:s14+s3], $0x2710, $0x38;
	[tilespmem:$0x8630] =	vst v63  }
0x23: {  	_ =	swait.ge [sflag:s12], $0x2710  }
0x24: {  	[sflag:s12] =	ssyncset.done $0x0  }
0x25: {  	[sflag:s12] =	ssyncadd.s32 $0xFFFFD8F0  }
0x26: {  	[tilespmem:s17], [sflag:$0x1] =	stream.indirect.gather [hbm4b:s0+s16], $0x10, s3, s16, $0xb8;
	[tilespmem:$0x8630] =	vst v63  }
0x27: {  	_ = 	snop  }
0x28: {  	[tilespmem:s18], [sflag:$0x2] =	stream.indirect.gather [hbm4b:s0+s16], $0x10, s16, s16, $0xb8;
	[tilespmem:$0x8630] =	vst v63  }
0x29: {  	_ = 	snop  }
0x2a: {  	[tilespmem:s21], [sflag:$0x3] =	stream.indirect.gather [hbm4b:s0+s19], $0x10, s20, s19, $0xb8;
	[tilespmem:$0x8630] =	vst v63  }
0x2b: {  	_ =	swait.ge [sflag:s22], $0x800  }
0x2c: {  	[sflag:s22] =	ssyncset.done $0x0  }
0x2d: {  	s30 =	simm.s32 $0x2710;
	[sflag:s22] =	ssyncadd.s32 $0xFFFFF800  }
0x2e: {  	[spmem:s2] =	stream.indirect.scatter.add.f32 [tilespmem:s17], [sflag:$0x4], $0x10, s30, s16, $0xb8;
	[tilespmem:$0x8630] =	vst v63  }
0x2f: {  	_ =	swait.ge [sflag:s12], $0x800  }
0x30: {  	[sflag:s12] =	ssyncset.done $0x0  }
0x31: {  	s30 =	simm.s32 $0x100;
	[sflag:s12] =	ssyncadd.s32 $0xFFFFF800  }
0x32: {  	[tilespmem:s17], [sflag:$0x1] =	stream.indirect.gather [hbm4b:s0+s16], $0x10, s30, s16, $0xb8;
	[tilespmem:$0x8630] =	vst v63  }
0x33: {  	_ =	swait.ge [sflag:s23], $0x800  }
0x34: {  	[sflag:s23] =	ssyncset.done $0x0  }
0x35: {  	s30 =	simm.s32 $0x2790;
	[sflag:s23] =	ssyncadd.s32 $0xFFFFF800  }
0x36: {  	[spmem:s2] =	stream.indirect.scatter.add.f32 [tilespmem:s18], [sflag:$0x4], $0x10, s30, s16, $0xb8;
	[tilespmem:$0x8630] =	vst v63  }
0x37: {  	_ =	swait.ge [sflag:s12], $0x800  }
0x38: {  	[sflag:s12] =	ssyncset.done $0x0  }
0x39: {  	s31 =	simm.s32 $0x180;
	s30 =	simm.s32 $0x400;
	[sflag:s12] =	ssyncadd.s32 $0xFFFFF800  }
.LBB2_2:
0x3a: {  	[tilespmem:s18], [sflag:$0x2] =	stream.indirect.gather [hbm4b:s0+s16], $0x10, s31, s16, $0xb8;
	[tilespmem:$0x8630] =	vst v63  }
0x3b: {  	s31 =	smov.u32 s30  }
0x3c: {  	p1 =	sne.s32 s30, $0x9400;
	s30 =	sadd.s32 $0x400, s30;
	_ =	swait.ge [sflag:s22], $0x800  }
0x3d: {  	s31 =	sshra.s32 s31, $0x2;
	[sflag:s22] =	ssyncset.done $0x0  }
0x3e: {  	s1 =	sadd.s32 $0x2710, s31;
	[sflag:s22] =	ssyncadd.s32 $0xFFFFF800  }
0x3f: {  	[spmem:s2] =	stream.indirect.scatter.add.f32 [tilespmem:s17], [sflag:$0x4], $0x10, s1, s16, $0xb8;
	[tilespmem:$0x8630] =	vst v63  }
0x40: {  	_ =	swait.ge [sflag:s12], $0x800  }
0x41: {  	[sflag:s12] =	ssyncset.done $0x0  }
0x42: {  	s1 =	sadd.s32 $0x100, s31;
	[sflag:s12] =	ssyncadd.s32 $0xFFFFF800  }
0x43: {  	[tilespmem:s17], [sflag:$0x1] =	stream.indirect.gather [hbm4b:s0+s16], $0x10, s1, s16, $0xb8;
	[tilespmem:$0x8630] =	vst v63  }
0x44: {  	_ =	swait.ge [sflag:s23], $0x800  }
0x45: {  	[sflag:s23] =	ssyncset.done $0x0  }
.Ltmp0:
0x46: {  	s1 =	sadd.s32 $0x2790, s31;
	[sflag:s23] =	ssyncadd.s32 $0xFFFFF800;
	(pc) =	sbr.rel @p1 .LBB2_2-.Ltmp0, $4  }
0x47: {  	[spmem:s2] =	stream.indirect.scatter.add.f32 [tilespmem:s18], [sflag:$0x4], $0x10, s1, s16, $0xb8;
	[tilespmem:$0x8630] =	vst v63  }
0x48: {  	_ =	swait.ge [sflag:s12], $0x800  }
0x49: {  	[sflag:s12] =	ssyncset.done $0x0  }
0x4a: {  	s31 =	sadd.s32 $0x180, s31;
	[sflag:s12] =	ssyncadd.s32 $0xFFFFF800  }
0x4b: {  	[tilespmem:s18], [sflag:$0x2] =	stream.indirect.gather [hbm4b:s0+s16], $0x10, s31, s16, $0xb8;
	[tilespmem:$0x8630] =	vst v63  }
0x4c: {  	_ =	swait.ge [sflag:s22], $0x800  }
0x4d: {  	[sflag:s22] =	ssyncset.done $0x0  }
0x4e: {  	[sflag:s22] =	ssyncadd.s32 $0xFFFFF800  }
0x4f: {  	[spmem:s2] =	stream.indirect.scatter.add.f32 [tilespmem:s17], [sflag:$0x4], $0x10, s24, s16, $0xb8;
	[tilespmem:$0x8630] =	vst v63  }
0x50: {  	_ =	swait.ge [sflag:s12], $0x800  }
0x51: {  	[sflag:s12] =	ssyncset.done $0x0  }
0x52: {  	[sflag:s12] =	ssyncadd.s32 $0xFFFFF800  }
0x53: {  	_ =	swait.ge [sflag:s23], $0x800  }
0x54: {  	[sflag:s23] =	ssyncset.done $0x0  }
0x55: {  	[sflag:s23] =	ssyncadd.s32 $0xFFFFF800  }
0x56: {  	[spmem:s2] =	stream.indirect.scatter.add.f32 [tilespmem:s18], [sflag:$0x4], $0x10, s25, s16, $0xb8;
	[tilespmem:$0x8630] =	vst v63  }
0x57: {  	_ =	swait.ge [sflag:s12], $0x800  }
0x58: {  	[sflag:s12] =	ssyncset.done $0x0  }
0x59: {  	[sflag:s12] =	ssyncadd.s32 $0xFFFFF800  }
0x5a: {  	_ =	swait.ge [sflag:s26], $0x100  }
0x5b: {  	[sflag:s26] =	ssyncset.done $0x0  }
0x5c: {  	[sflag:s26] =	ssyncadd.s32 $0xFFFFFF00  }
0x5d: {  	[spmem:s2] =	stream.indirect.scatter.add.f32 [tilespmem:s21], [sflag:$0x4], $0x10, s28, s19, $0xb8;
	[tilespmem:$0x8630] =	vst v63  }
0x5e: {  	_ =	swait.ge [sflag:s12], $0x100  }
0x5f: {  	[sflag:s12] =	ssyncset.done $0x0  }
0x60: {  	[sflag:s12] =	ssyncadd.s32 $0xFFFFFF00  }
0x61: {  	[bflag:$0x0] =	sbarrier.arrive $0xFFFF  }
0x62: {  	[hbm:s8@s12], [sflag:s5] =	dma.strided [spmem:s11@s23], $0x4E0, s22, $0x2   }
0x63: {  	s1 =	simm.s32 @!p0 $0x1;
	s29 =	sadd.s32 $0x1, s29;
	_ =	swait.ge [sflag:s12], $0x4E0  }
0x64: {  	s30 =	simm.s32 @!p0 $0x4;
	p1 =	sne.s32 s29, s10;
	[sflag:s12] =	ssyncset.done $0x0  }
.Ltmp1:
0x65: {  	s31 =	simm.s32 @!p0 $0x2;
	[sflag:s12] =	ssyncadd.s32 $0xFFFFFB20;
	(pc) =	sbr.rel @p1 .LBB2_1-.Ltmp1, $4  }
0x66: {  	[hbm:s9@s30], [sflag:s5] =	dma.strided @!p0 [spmem:s13@s31], $0x20, s1, $0x2   }
0x67: {  	_ =	swait.ge @!p0 [sflag:s30], $0x20  }
0x68: {  	[sflag:s30] =	ssyncset.done @!p0 $0x0  }
0x69: {  	[sflag:s30] =	ssyncadd.s32 @!p0 $0xFFFFFFE0  }
0x6a: {  	_ =	sfence.sel $0x180000  }
0x6b: {  	[bflag:$0x0] =	sbarrier.arrive $0xFFFF  }
0x6c: {  	_ =	strace $0x9000004D  }
0x6d: {  	[bflag:$0x2] =	sbarrier.arrive $0xFFFF  }
0x6e: {  	s0 =	rddreg [dreg:$0x3]  }
0x6f: {  	s0 =	sadd.s32 @!p0 $0x100000, s0  }
0x70: {  	[sflag:s0] =	ssyncadd.tile.s32 @!p0 $0x1;
	_ =	shalt  }
.Lfunc_end2:
_tile_overlayer_lowered:
.L_overlay_start_2:
0x71: {  	(tag) =	ssettag $0x2  }
0x72: {  	s0 =	rddreg [dreg:$0x0];
	s2 =	stileid.u32  }
0x73: {  	s1 =	rddreg [dreg:$0x1];
	p0 =	sne.s32 s2, $0x0  }
0x74: {  	s3 =	rddreg [dreg:$0x2];
	[bflag:$0x3] =	sbarrier.arrive $0xFFFF;
	s2 =	simm.s32 @!p0 $0x1C04  }
0x75: {  	[timem:s3], [sflag:s2] =	dma.local @!p0 [hbm:s0], s1  }
0x76: {  	s0 =	simm.s32 @!p0 $0x4  }
0x77: {  	_ =	swait.ge @!p0 [sflag:s0], s1  }
0x78: {  	s1 =	ssub.s32 @!p0 $0x0, s1;
	[sflag:s0] =	ssyncset.done @!p0 $0x0  }
0x79: {  	[sflag:s0] =	ssyncadd.s32 @!p0 s1  }
0x7a: {  	[bflag:$0x3] =	sbarrier.arrive $0xFFFF  }
0x7b: {  	_ =	shalt  }

// kernel: kernel.8.cloned.1.call-start
scs
__scs_entry_jumppad:
0x0: {  	(pc) =	sbr.rel $0x88, $3  }
0x1: {  	(tag) =	ssettag $0x0;
	lr =	simm.s32 $0x1  }
0x2: {  	[smem:$0x3F9B] =	sst lr;
	_ =	strace $0xD0000000  }
0x3: {  	_ = 	snop  }
0x4: {  	_ = 	snop  }
0x5: {  	_ = 	snop  }
0x6: {  	_ = 	snop  }
0x7: {  	_ = 	snop  }
__scs_overlays_trampoline_lowered:
0x8: {  	[smem:$0x3FAA] =	sst s0  }
0x9: {  	[smem:$0x3FAB] =	sst s1  }
0xa: {  	[smem:$0x3FAC] =	sst s2  }
0xb: {  	[smem:$0x3FAD] =	sst s3  }
0xc: {  	[smem:$0x3FAE] =	sst s4  }
0xd: {  	[smem:$0x3FAF] =	sst s5  }
0xe: {  	[smem:$0x3FB0] =	sst s6  }
0xf: {  	[smem:$0x3FB1] =	sst s7  }
0x10: {  	[smem:$0x3FB2] =	sst s8  }
0x11: {  	[smem:$0x3FB3] =	sst s9;
	s0 =	simm.s32 @!p0 $0x0  }
0x12: {  	s1 =	sld [smem:$0x3F99];
	s0 =	simm.s32 @p0 $0x1  }
0x13: {  	[smem:$0x3FB4] =	sst s0;
	s0 =	simm.s32 @!p1 $0x0  }
0x14: {  	s2 =	sld [smem:$0x3F98];
	s0 =	simm.s32 @p1 $0x1  }
0x15: {  	[smem:$0x3FB5] =	sst s0;
	s0 =	simm.s32 @!p2 $0x0  }
0x16: {  	s3 =	sld [smem:$0x3FDB];
	s0 =	simm.s32 @p2 $0x1  }
0x17: {  	s4 =	simm.s32 $0x1BF5;
	[smem:$0x3FB7] =	sst s0  }
0x18: {  	s0 =	sld [smem:$0x3F9A];
	_ =	swait.ge [sflag:s4], $0x0  }
0x19: {  	s7 =	sld [smem:$0x3F9B]  }
0x1a: {  	s8 =	sadd.s32 $0xFFFFE003, lr  }
0x1b: {  	s9 =	sadd.s32 $0xFFFFFEF7, lr;
	s5 =	simm.s32 $0xFFFFFFFF;
	p2 =	slt.u32 s8, $0xFFFFF086  }
0x1c: {  	p1 =	slt.u32 s9, $0xF7A;
	s5 =	simm.s32 @!p2 $0x0  }
0x1d: {  	s5 =	simm.s32 @p1 $0x1;
	p0 =	seq.s32 s7, s2  }
0x1e: {  	s7 =	smul.u32 @!p0 $0xF7A, s2;
	p2 =	seq.s32 @!p0 s5, $0x0  }
0x1f: {  	s9 =	smul.u32 $0xF7A, s1;
	s8 =	simm.s32 @!p0 $0x1BF5;
	p2 =	por !p2, p0  }
0x20: {  	[sflag:s8] =	ssyncset.s32 @!p0 $0xFFFFF086;
	s6 =	sadd.s32 @!p0 s3, s7;
	s7 =	simm.s32 @!p0 $0x108  }
0x21: {  	s3 =	sadd.s32 s3, s9;
	s6 =	sadd.s32 @!p0 $0x88, s6;
	s7 =	simm.s32 @p2 $0x1082  }
0x22: {  	[simem:s7], [sflag:s8] =	dma.local @!p0 [hbm:s6], $0xF7A  }
0x23: {  	s9 =	sor.u32 $0xD0000000, s2;
	s6 =	simm.s32 $0x108;
	_ =	swait.ge @!p0 [sflag:s8], $0x0  }
0x24: {  	s3 =	sadd.s32 $0x88, s3;
	s6 =	simm.s32 @!p1 $0x1082;
	[sflag:s4] =	ssyncset.s32 $0xFFFFF086  }
0x25: {  	[simem:s6], [sflag:s4] =	dma.local [hbm:s3], $0xF7A  }
0x26: {  	[smem:$0x3F9B] =	sst s1;
	(tag) =	ssettag s2;
	_ =	strace s9  }
0x27: {  	s1 =	sld [smem:$0x3FAB]  }
0x28: {  	s2 =	sld [smem:$0x3FAC]  }
0x29: {  	s4 =	sld [smem:$0x3FAE]  }
0x2a: {  	p0 =	seq.s32 s5, $0x0;
	s5 =	sld [smem:$0x3FAF]  }
0x2b: {  	s6 =	sld [smem:$0x3FB0]  }
0x2c: {  	s7 =	sld [smem:$0x3FB1]  }
0x2d: {  	s3 =	simm.s32 $0x108;
	s8 =	sld [smem:$0x3FB2]  }
0x2e: {  	s3 =	simm.s32 @!p0 $0x1082;
	s9 =	sld [smem:$0x3FB3]  }
0x2f: {  	lr =	sadd.s32 s0, s3;
	s0 =	sld [smem:$0x3FAA]  }
0x30: {  	s3 =	sld [smem:$0x3FAD]  }
0x31: {  	[smem:$0x3FB6] =	sst s10  }
0x32: {  	s10 =	sld [smem:$0x3FB4];
	_ =	sdelay $0x3  }
0x33: {  	p0 =	seq.s32 s10, $0x1;
	s10 =	sld [smem:$0x3FB6];
	_ =	sdelay $0x3  }
0x34: {  	[smem:$0x3FB6] =	sst s10  }
0x35: {  	s10 =	sld [smem:$0x3FB5];
	_ =	sdelay $0x3  }
0x36: {  	p1 =	seq.s32 s10, $0x1;
	s10 =	sld [smem:$0x3FB6];
	_ =	sdelay $0x3  }
0x37: {  	[smem:$0x3FB6] =	sst s10  }
0x38: {  	s10 =	sld [smem:$0x3FB7]  }
0x39: {  	_ = 	snop;
	(pc) =	sbr.ind lr, $3  }
0x3a: {  	_ = 	snop  }
0x3b: {  	_ = 	snop  }
0x3c: {  	p2 =	seq.s32 s10, $0x1;
	s10 =	sld [smem:$0x3FB6]  }
0x3d: {  	_ =	shalt  }
0x3e: {  	_ =	shalt  }
0x3f: {  	_ =	shalt  }
0x40: {  	_ =	shalt  }
0x41: {  	_ =	shalt  }
0x42: {  	_ =	shalt  }
0x43: {  	_ =	shalt  }
0x44: {  	_ =	shalt  }
0x45: {  	_ =	shalt  }
0x46: {  	_ =	shalt  }
0x47: {  	_ =	shalt  }
0x48: {  	_ =	shalt  }
0x49: {  	_ =	shalt  }
0x4a: {  	_ =	shalt  }
0x4b: {  	_ =	shalt  }
0x4c: {  	_ =	shalt  }
0x4d: {  	_ =	shalt  }
0x4e: {  	_ =	shalt  }
0x4f: {  	_ =	shalt  }
0x50: {  	_ =	shalt  }
0x51: {  	_ =	shalt  }
0x52: {  	_ =	shalt  }
0x53: {  	_ =	shalt  }
0x54: {  	_ =	shalt  }
0x55: {  	_ =	shalt  }
0x56: {  	_ =	shalt  }
0x57: {  	_ =	shalt  }
0x58: {  	_ =	shalt  }
0x59: {  	_ =	shalt  }
0x5a: {  	_ =	shalt  }
0x5b: {  	_ =	shalt  }
0x5c: {  	_ =	shalt  }
0x5d: {  	_ =	shalt  }
0x5e: {  	_ =	shalt  }
0x5f: {  	_ =	shalt  }
0x60: {  	_ =	shalt  }
0x61: {  	_ =	shalt  }
0x62: {  	_ =	shalt  }
0x63: {  	_ =	shalt  }
0x64: {  	_ =	shalt  }
0x65: {  	_ =	shalt  }
0x66: {  	_ =	shalt  }
0x67: {  	_ =	shalt  }
0x68: {  	_ =	shalt  }
0x69: {  	_ =	shalt  }
0x6a: {  	_ =	shalt  }
0x6b: {  	_ =	shalt  }
0x6c: {  	_ =	shalt  }
0x6d: {  	_ =	shalt  }
0x6e: {  	_ =	shalt  }
0x6f: {  	_ =	shalt  }
0x70: {  	_ =	shalt  }
0x71: {  	_ =	shalt  }
0x72: {  	_ =	shalt  }
0x73: {  	_ =	shalt  }
0x74: {  	_ =	shalt  }
0x75: {  	_ =	shalt  }
0x76: {  	_ =	shalt  }
0x77: {  	_ =	shalt  }
0x78: {  	_ =	shalt  }
0x79: {  	_ =	shalt  }
0x7a: {  	_ =	shalt  }
0x7b: {  	_ =	shalt  }
0x7c: {  	_ =	shalt  }
0x7d: {  	_ =	shalt  }
0x7e: {  	_ =	shalt  }
0x7f: {  	_ =	shalt  }
0x80: {  	_ =	shalt  }
0x81: {  	_ =	shalt  }
0x82: {  	_ =	shalt  }
0x83: {  	_ =	shalt  }
0x84: {  	_ =	shalt  }
0x85: {  	_ =	shalt  }
0x86: {  	_ =	shalt  }
0x87: {  	_ =	shalt  }
.Lfunc_end0:
.L_simem_size_0:
called_computation_lowered:
.L_overlay_start_0:
0x88: {  	s2 =	sld [smem:$0x3FD9]  }
0x89: {  	s3 =	sld [smem:$0x3FFE];
	_ =	sdelay $0x1  }
0x8a: {  	s1 =	srdreg.scid  }
0x8b: {  	s0 =	sand.u32 $0x1, s1  }
0x8c: {  	s17 =	sshll.u32 s0, $0xA;
	s2 =	sadd.s32 s3, s2  }
0x8d: {  	s2 =	sadd.s32 s2, s17  }
0x8e: {  	[smem:$0x3FC2] =	sst s2  }
0x8f: {  	_ = 	snop  }
0x90: {  	s2 =	sld [smem:$0x3FD0];
	(tm) =	ssettm $0x1  }
0x91: {  	s18 =	sld [smem:$0x3FFB];
	_ =	sdelay $0x3  }
0x92: {  	_ =	strace s18  }
0x93: {  	s3 =	sld [smem:$0x3FFC];
	_ =	sdelay $0x3  }
0x94: {  	_ =	strace s3  }
0x95: {  	s3 =	sld [smem:$0x3FFD];
	_ =	sdelay $0x3  }
0x96: {  	_ =	strace s3  }
0x97: {  	_ =	strace $0x8FFFFFFF  }
0x98: {  	s19 =	sld [smem:$0x3FDB];
	_ =	sdelay $0x1  }
0x99: {  	s4 =	simm.s32 $_scs_section_size  }
0x9a: {  	s5 =	simm.s32 $_size__tile_overlayer_lowered;
	s6 =	simm.s32 $_tile_overlayer_lowered  }
0x9b: {  	s22 =	simm.s32 $0x1BFF;
	s21 =	sshll.u32 s6, $0x1;
	s3 =	sadd.s32 s4, s19  }
0x9c: {  	s7 =	simm.s32 $0x0;
	s20 =	sshll.u32 s5, $0x1;
	s5 =	sadd.s32 s21, s3  }
0x9d: {  	[timem:s7], [sflag:s22] =	dma.local [hbm:s5], s20  }
0x9e: {  	_ =	swait.ge [sflag:s22], s20  }
0x9f: {  	s4 =	ssub.s32 $0x0, s20;
	[sflag:s22] =	ssyncset.done $0x0  }
0xa0: {  	[sflag:s22] =	ssyncadd.s32 s4;
	_ =	sdelay $0x1  }
0xa1: {  	s23 =	simm.s32 $0x1B8B  }
0xa2: {  	_ =	swait.ge [sflag:s23], $0x1  }
0xa3: {  	[sflag:s23] =	ssyncset.done $0x0  }
0xa4: {  	s25 =	simm.s32 $0x1B8E;
	s24 =	sld [smem:$0x3FFE];
	[sflag:s23] =	ssyncadd.s32 $0xFFFFFFFF  }
0xa5: {  	s26 =	simm.s32 $execute0_lowered;
	[smem:$0x3FD2] =	sst s25  }
0xa6: {  	s5 =	sshll.u32 s26, $0x1;
	_ =	strace $0x80000046;
	[dreg:$0x1] =	wrdreg $0xFFFFFFFF  }
0xa7: {  	s28 =	simm.s32 $_size_execute0_lowered;
	s3 =	sadd.s32 s3, s5;
	[dreg:$0x0] =	wrdreg $0x0  }
0xa8: {  	s5 =	sshll.u32 s28, $0x1;
	[dreg:$0x2] =	wrdreg s3  }
0xa9: {  	[dreg:$0x3] =	wrdreg s5  }
0xaa: {  	[dreg:$0x4] =	wrdreg $0xC0  }
0xab: {  	_ =	task [dreg:s7], $0x5FFFF  }
0xac: {  	[dreg:$0x1] =	wrdreg $0xFFFFFFFF  }
0xad: {  	[dreg:$0x0] =	wrdreg $0x60  }
0xae: {  	[dreg:$0x2] =	wrdreg s24  }
0xaf: {  	[dreg:$0x3] =	wrdreg s2  }
0xb0: {  	[dreg:$0x4] =	wrdreg $0x27900  }
0xb1: {  	[dreg:$0x5] =	wrdreg $0x9  }
0xb2: {  	_ =	task.clear_ibuf [dreg:s7], $0x6FFFF;
	_ =	strace $0x90000046  }
0xb3: {  	s29 =	simm.s32 $0x9;
	_ =	strace $0x80000048  }
0xb4: {  	_ =	swait.ge [sflag:s29], $0x1  }
0xb5: {  	[sflag:s29] =	ssyncadd.s32 $0xFFFFFFFF  }
0xb6: {  	_ =	strace $0x90000048  }
0xb7: {  	_ =	sfence  }
0xb8: {  	s30 =	sld [smem:$0x0];
	_ =	sdelay $0x2  }
0xb9: {  	s31 =	sshll.u32 s1, $0xD;
	s1 =	sshrl.u32 s1, $0x2  }
0xba: {  	s3 =	sand.u32 $0x4000, s31;
	s1 =	sadd.s32 s1, s30  }
0xbb: {  	s0 =	sor.u32 s3, s0;
	s1 =	sshll.u32 s1, $0x11  }
0xbc: {  	s0 =	sor.u32 s1, s0  }
0xbd: {  	s0 =	sadd.s32 $0x8F2B, s0  }
0xbe: {  	[sflag:s0] =	ssyncadd.remote.s32 $0x1  }
0xbf: {  	_ =	sfence.sel $0xFFFF  }
0xc0: {  	[dreg:$0x0] =	wrdreg $0xFFFFFFFF;
	(pc) =	sbr.abs _section_cstart, $3  }
0xc1: {  	[dreg:$0x1] =	wrdreg $0xFFFFFFFF  }
0xc2: {  	_ =	task.clear_ibuf [dreg:s7], $0x2FFFF;
	_ =	strace $0x9FFFFFFF  }
0xc3: {  	(tm) =	ssettm $0x7FFFFFFF  }
tec
execute0_lowered:
.L_overlay_start_1:
0x0: {  	(tag) =	ssettag $0x1  }
0x1: {  	s4 =	rddreg [dreg:$0x0]  }
0x2: {  	s5 =	rddreg [dreg:$0x1]  }
0x3: {  	s1 =	rddreg [dreg:$0x2]  }
0x4: {  	s0 =	rddreg [dreg:$0x3];
	s2 =	simm.s32 $0x0  }
0x5: {  	s3 =	srdreg.scid;
	s7 =	stileid.u32;
	s11 =	simm.s32 $0x100  }
0x6: {  	s12 =	simm.s32 $0x180;
	s13 =	simm.s32 $0x1;
	s14 =	simm.s32 $0x2  }
0x7: {  	s15 =	simm.s32 $0x3;
	s16 =	simm.s32 $0x4;
	s17 =	simm.s32 $0x2600  }
0x8: {  	s18 =	simm.s32 $0x2680;
	s19 =	simm.s32 $0x10;
	s20 =	simm.s32 $0x2700  }
0x9: {  	s21 =	simm.s32 $0x0;
	[smem:$0x7FF] =	sst s2;
	s6 =	sand.u32 $0x1, s3  }
0xa: {  	s3 =	sadd.s32 $0x15E00, s4;
	s10 =	sshll.u32 s7, $0x1;
	s31 =	sadd.s32 $0xC040, s4  }
0xb: {  	p0 =	sne.s32 s7, $0x0;
	_ =	strace $0x80000047;
	s8 =	ssub.s32 $0x2, s6  }
0xc: {  	s30 =	sor.u32 s6, s10;
	s6 =	smul.u32 $0x4E2, s6;
	s9 =	sshrl.u32 s8, $0x1  }
0xd: {  	s10 =	simm.s32 $0x2710;
	s8 =	ssub.s32 s8, s9;
	s9 =	smul.u32 $0x4E2, s30  }
0xe: {  	s4 =	sadd.s32 s5, s6;
	s6 =	sshrl.u32 @!p0 s1, $0x3;
	s5 =	smax.u32 s8, $0x1  }
0xf: {  	v0 =	vimm.f32 $1.000000000e+00;
	s8 =	simm.s32 $0x5;
	s7 =	sadd.s32 s9, s31;
	s9 =	simm.s32 $0x80  }
.LBB2_1:
0x10: {  	s22 =	simm.s32 @!p0 $0x1C05  }
0x11: {  	[spmem:s6], [sflag:s22] =	dma.local @!p0 [hbm:s3], $0x4E2  }
0x12: {  	s22 =	simm.s32 @!p0 $0x5  }
0x13: {  	_ =	swait.ge @!p0 [sflag:s22], $0x4E2  }
0x14: {  	[sflag:s22] =	ssyncset.done @!p0 $0x0  }
0x15: {  	[sflag:s22] =	ssyncadd.s32 @!p0 $0xFFFFFB1E  }
0x16: {  	[tilespmem:$0x2710] =	vst v0  }
0x17: {  	[tilespmem:$0x2720] =	vst v0  }
0x18: {  	[tilespmem:$0x2730] =	vst v0  }
0x19: {  	[tilespmem:$0x2740] =	vst v0  }
0x1a: {  	[tilespmem:$0x2750] =	vst v0  }
0x1b: {  	[tilespmem:$0x2760] =	vst v0  }
0x1c: {  	[tilespmem:$0x2770] =	vst v0  }
0x1d: {  	[tilespmem:$0x2780] =	vst v0  }
0x1e: {  	[bflag:$0x0] =	sbarrier.arrive $0xFFFF  }
0x1f: {  	[tilespmem:s2], [sflag:$0x5] =	stream.linear.gather [hbm4b:s7+s2], $0x2710, $0x38;
	[tilespmem:$0x2A08] =	vst v63  }
0x20: {  	_ =	swait.ge [sflag:s8], $0x2710  }
0x21: {  	[sflag:s8] =	ssyncset.done $0x0  }
0x22: {  	[sflag:s8] =	ssyncadd.s32 $0xFFFFD8F0  }
0x23: {  	[spmem:s1] =	stream.indirect.scatter.add.f32 [tilespmem:s10], [sflag:$0x1], $0x1, s2, s9, $0xb8;
	[tilespmem:$0x2A08] =	vst v63  }
0x24: {  	_ = 	snop  }
0x25: {  	[spmem:s1] =	stream.indirect.scatter.add.f32 [tilespmem:s10], [sflag:$0x2], $0x1, s9, s9, $0xb8;
	[tilespmem:$0x2A08] =	vst v63  }
0x26: {  	_ = 	snop  }
0x27: {  	[spmem:s1] =	stream.indirect.scatter.add.f32 [tilespmem:s10], [sflag:$0x3], $0x1, s11, s9, $0xb8;
	[tilespmem:$0x2A08] =	vst v63  }
0x28: {  	_ = 	snop  }
0x29: {  	[spmem:s1] =	stream.indirect.scatter.add.f32 [tilespmem:s10], [sflag:$0x4], $0x1, s12, s9, $0xb8;
	[tilespmem:$0x2A08] =	vst v63  }
0x2a: {  	_ =	swait.ge [sflag:s13], $0x80  }
0x2b: {  	[sflag:s13] =	ssyncset.done $0x0  }
0x2c: {  	s29 =	simm.s32 $0x200;
	[sflag:s13] =	ssyncadd.s32 $0xFFFFFF80  }
0x2d: {  	[spmem:s1] =	stream.indirect.scatter.add.f32 [tilespmem:s10], [sflag:$0x1], $0x1, s29, s9, $0xb8;
	[tilespmem:$0x2A08] =	vst v63  }
0x2e: {  	_ =	swait.ge [sflag:s14], $0x80  }
0x2f: {  	[sflag:s14] =	ssyncset.done $0x0  }
0x30: {  	s30 =	simm.s32 $0x280;
	[sflag:s14] =	ssyncadd.s32 $0xFFFFFF80  }
0x31: {  	[spmem:s1] =	stream.indirect.scatter.add.f32 [tilespmem:s10], [sflag:$0x2], $0x1, s30, s9, $0xb8;
	[tilespmem:$0x2A08] =	vst v63  }
0x32: {  	_ =	swait.ge [sflag:s15], $0x80  }
0x33: {  	[sflag:s15] =	ssyncset.done $0x0  }
0x34: {  	s31 =	simm.s32 $0x300;
	[sflag:s15] =	ssyncadd.s32 $0xFFFFFF80  }
0x35: {  	[spmem:s1] =	stream.indirect.scatter.add.f32 [tilespmem:s10], [sflag:$0x3], $0x1, s31, s9, $0xb8;
	[tilespmem:$0x2A08] =	vst v63  }
0x36: {  	_ =	swait.ge [sflag:s16], $0x80  }
0x37: {  	[sflag:s16] =	ssyncset.done $0x0  }
0x38: {  	s23 =	simm.s32 $0x380;
	s22 =	simm.s32 $0xFFFF7800;
	[sflag:s16] =	ssyncadd.s32 $0xFFFFFF80  }
.LBB2_2:
0x39: {  	[spmem:s1] =	stream.indirect.scatter.add.f32 [tilespmem:s10], [sflag:$0x4], $0x1, s23, s9, $0xb8;
	[tilespmem:$0x2A08] =	vst v63  }
0x3a: {  	s23 =	smov.u32 s22  }
0x3b: {  	p1 =	sne.s32 s22, $0xFFFFF800;
	s22 =	sadd.s32 $0x800, s22;
	_ =	swait.ge [sflag:s13], $0x80  }
0x3c: {  	s23 =	sshra.s32 s23, $0x2;
	[sflag:s13] =	ssyncset.done $0x0  }
0x3d: {  	s24 =	sadd.s32 $0x2600, s23;
	[sflag:s13] =	ssyncadd.s32 $0xFFFFFF80  }
0x3e: {  	[spmem:s1] =	stream.indirect.scatter.add.f32 [tilespmem:s10], [sflag:$0x1], $0x1, s24, s9, $0xb8;
	[tilespmem:$0x2A08] =	vst v63  }
0x3f: {  	_ =	swait.ge [sflag:s14], $0x80  }
0x40: {  	[sflag:s14] =	ssyncset.done $0x0  }
0x41: {  	s24 =	sadd.s32 $0x2680, s23;
	[sflag:s14] =	ssyncadd.s32 $0xFFFFFF80  }
0x42: {  	[spmem:s1] =	stream.indirect.scatter.add.f32 [tilespmem:s10], [sflag:$0x2], $0x1, s24, s9, $0xb8;
	[tilespmem:$0x2A08] =	vst v63  }
0x43: {  	_ =	swait.ge [sflag:s15], $0x80  }
0x44: {  	[sflag:s15] =	ssyncset.done $0x0  }
.Ltmp0:
0x45: {  	s24 =	sadd.s32 $0x2700, s23;
	[sflag:s15] =	ssyncadd.s32 $0xFFFFFF80;
	(pc) =	sbr.rel @p1 .LBB2_2-.Ltmp0, $4  }
0x46: {  	[spmem:s1] =	stream.indirect.scatter.add.f32 [tilespmem:s10], [sflag:$0x3], $0x1, s24, s9, $0xb8;
	[tilespmem:$0x2A08] =	vst v63  }
0x47: {  	_ =	swait.ge [sflag:s16], $0x80  }
0x48: {  	[sflag:s16] =	ssyncset.done $0x0  }
0x49: {  	s23 =	sadd.s32 $0x2780, s23;
	[sflag:s16] =	ssyncadd.s32 $0xFFFFFF80  }
0x4a: {  	[spmem:s1] =	stream.indirect.scatter.add.f32 [tilespmem:s10], [sflag:$0x4], $0x1, s23, s9, $0xb8;
	[tilespmem:$0x2A08] =	vst v63  }
0x4b: {  	_ =	swait.ge [sflag:s13], $0x80  }
0x4c: {  	[sflag:s13] =	ssyncset.done $0x0  }
0x4d: {  	[sflag:s13] =	ssyncadd.s32 $0xFFFFFF80  }
0x4e: {  	[spmem:s1] =	stream.indirect.scatter.add.f32 [tilespmem:s10], [sflag:$0x1], $0x1, s17, s9, $0xb8;
	[tilespmem:$0x2A08] =	vst v63  }
0x4f: {  	_ =	swait.ge [sflag:s14], $0x80  }
0x50: {  	[sflag:s14] =	ssyncset.done $0x0  }
0x51: {  	[sflag:s14] =	ssyncadd.s32 $0xFFFFFF80  }
0x52: {  	[spmem:s1] =	stream.indirect.scatter.add.f32 [tilespmem:s10], [sflag:$0x2], $0x1, s18, s9, $0xb8;
	[tilespmem:$0x2A08] =	vst v63  }
0x53: {  	_ =	swait.ge [sflag:s15], $0x80  }
0x54: {  	[sflag:s15] =	ssyncset.done $0x0  }
0x55: {  	[sflag:s15] =	ssyncadd.s32 $0xFFFFFF80  }
0x56: {  	[spmem:s1] =	stream.indirect.scatter.add.f32 [tilespmem:s10], [sflag:$0x3], $0x1, s20, s19, $0xb8;
	[tilespmem:$0x2A08] =	vst v63  }
0x57: {  	_ =	swait.ge [sflag:s13], $0x80  }
0x58: {  	[sflag:s13] =	ssyncset.done $0x0  }
0x59: {  	[sflag:s13] =	ssyncadd.s32 $0xFFFFFF80  }
0x5a: {  	_ =	swait.ge [sflag:s14], $0x80  }
0x5b: {  	[sflag:s14] =	ssyncset.done $0x0  }
0x5c: {  	[sflag:s14] =	ssyncadd.s32 $0xFFFFFF80  }
0x5d: {  	_ =	swait.ge [sflag:s15], $0x10  }
0x5e: {  	[sflag:s15] =	ssyncset.done $0x0  }
0x5f: {  	[sflag:s15] =	ssyncadd.s32 $0xFFFFFFF0  }
0x60: {  	_ =	swait.ge [sflag:s16], $0x80  }
0x61: {  	[sflag:s16] =	ssyncset.done $0x0  }
0x62: {  	s21 =	sadd.s32 $0x1, s21;
	[sflag:s16] =	ssyncadd.s32 $0xFFFFFF80  }
0x63: {  	s22 =	simm.s32 @!p0 $0x1C05;
	p1 =	sne.s32 s21, s5;
	[bflag:$0x0] =	sbarrier.arrive $0xFFFF  }
0x64: {  	[hbm:s4], [sflag:s22] =	dma.local @!p0 [spmem:s6], $0x4E2  }
.Ltmp1:
0x65: {  	_ = 	snop;
	(pc) =	sbr.rel @p1 .LBB2_1-.Ltmp1, $4  }
0x66: {  	s22 =	simm.s32 @!p0 $0x5  }
0x67: {  	_ =	swait.ge @!p0 [sflag:s22], $0x4E2  }
0x68: {  	[sflag:s22] =	ssyncset.done @!p0 $0x0  }
0x69: {  	[sflag:s22] =	ssyncadd.s32 @!p0 $0xFFFFFB1E  }
0x6a: {  	_ =	sfence.sel $0x180000  }
0x6b: {  	[bflag:$0x0] =	sbarrier.arrive $0xFFFF  }
0x6c: {  	_ =	strace $0x90000047  }
0x6d: {  	s0 =	sadd.s32 @!p0 $0x100000, s0;
	[bflag:$0x2] =	sbarrier.arrive $0xFFFF  }
0x6e: {  	[sflag:s0] =	ssyncadd.tile.s32 @!p0 $0x1;
	_ =	shalt  }
.Lfunc_end2:
_tile_overlayer_lowered:
.L_overlay_start_2:
0x6f: {  	(tag) =	ssettag $0x2  }
0x70: {  	s0 =	rddreg [dreg:$0x0];
	s2 =	stileid.u32  }
0x71: {  	s1 =	rddreg [dreg:$0x1];
	p0 =	sne.s32 s2, $0x0  }
0x72: {  	s3 =	rddreg [dreg:$0x2];
	[bflag:$0x3] =	sbarrier.arrive $0xFFFF;
	s2 =	simm.s32 @!p0 $0x1C05  }
0x73: {  	[timem:s3], [sflag:s2] =	dma.local @!p0 [hbm:s0], s1  }
0x74: {  	s0 =	simm.s32 @!p0 $0x5  }
0x75: {  	_ =	swait.ge @!p0 [sflag:s0], s1  }
0x76: {  	s1 =	ssub.s32 @!p0 $0x0, s1;
	[sflag:s0] =	ssyncset.done @!p0 $0x0  }
0x77: {  	[sflag:s0] =	ssyncadd.s32 @!p0 s1  }
0x78: {  	[bflag:$0x3] =	sbarrier.arrive $0xFFFF  }
0x79: {  	_ =	shalt  }

</sc_bundles>
